<compile_context>
chip_gen: v7x
topology: tpu7x:2x2x1
jax: 0.10.2.dev20260603
libtpu: 0.0.44.dev20260713+nightly
codegen_flags: <defaults>
</compile_context>

<pallas_src>
import functools

import jax
import jax.numpy as jnp
from jax import lax
from jax.experimental import pallas as pl
from jax.experimental.pallas import tpu as pltpu
from jax.experimental.pallas import tpu_sc as plsc

_N, _K, _D = 16384, 1024, 16
_L = 16
_NC, _NS = 2, 16
_NW = _NC * _NS
_SC_ROWS = 512
_RPW = _SC_ROWS // _NW



def _sqrt16(x):
    xc = jnp.maximum(x, 1e-12)
    s = 0.5 * (1.0 + xc)
    for _ in range(8):
        s = 0.5 * (s + xc / s)
    return s


_mesh = plsc.VectorSubcoreMesh(core_axis_name="c", subcore_axis_name="s")


@functools.partial(
    pl.kernel,
    mesh=_mesh,
    out_type=jax.ShapeDtypeStruct((_NW, _L), jnp.float32),
    scratch_types=[
        pltpu.VMEM((_D, _K), jnp.float32),
        pltpu.VMEM((_K,), jnp.float32),
        pltpu.VMEM((_RPW, _D), jnp.float32),
        pltpu.VMEM((1, _L), jnp.float32),
    ],
)
def _sc_kernel(ct_hbm, f_hbm, out_hbm, ct_v, csq_v, f_v, acc_v):
    wid = lax.axis_index("s") * _NC + lax.axis_index("c")
    pltpu.sync_copy(ct_hbm, ct_v)
    pltpu.sync_copy(f_hbm.at[pl.ds(wid * _RPW, _RPW)], f_v)

    def csq_body(g, carry):
        a = jnp.zeros((_L,), jnp.float32)
        for d in range(_D):
            cv = ct_v[d, pl.ds(g * _L, _L)]
            a = a + cv * cv
        csq_v[pl.ds(g * _L, _L)] = a
        return carry

    lax.fori_loop(0, _K // _L, csq_body, 0)

    lane = lax.iota(jnp.int32, _L)
    big = jnp.full((_L,), 1e30, jnp.float32)

    def block_body(b, acc):
        def pair_body(q, stage):
            i0 = (b * 8 + q) * 2
            ra = f_v[i0, pl.ds(0, _D)]
            rb = f_v[i0 + 1, pl.ds(0, _D)]
            ea = [ra[d] for d in range(_D)]
            eb = [rb[d] for d in range(_D)]
            fsq_a = ea[0] * ea[0]
            fsq_b = eb[0] * eb[0]
            for d in range(1, _D):
                fsq_a = fsq_a + ea[d] * ea[d]
                fsq_b = fsq_b + eb[d] * eb[d]
            sa = [jnp.full((_L,), ea[d] * -2.0, jnp.float32)
                  for d in range(_D)]
            sb = [jnp.full((_L,), eb[d] * -2.0, jnp.float32)
                  for d in range(_D)]

            def g_body(g, mm):
                ma, mb = mm
                base = csq_v[pl.ds(g * _L, _L)]
                acc_a = base
                acc_b = base
                for d in range(_D):
                    cv = ct_v[d, pl.ds(g * _L, _L)]
                    acc_a = acc_a + sa[d] * cv
                    acc_b = acc_b + sb[d] * cv
                return (jnp.minimum(ma, acc_a), jnp.minimum(mb, acc_b))

            ma, mb = lax.fori_loop(0, _K // _L, g_body, (big, big))
            m_a = ma[0]
            m_b = mb[0]
            for j in range(1, _L):
                m_a = jnp.minimum(m_a, ma[j])
                m_b = jnp.minimum(m_b, mb[j])
            m_a = m_a + fsq_a
            m_b = m_b + fsq_b
            stage = jnp.where(lane == 2 * q, jnp.full((_L,), m_a), stage)
            stage = jnp.where(lane == 2 * q + 1, jnp.full((_L,), m_b), stage)
            return stage

        stage = lax.fori_loop(0, 8, pair_body, jnp.zeros((_L,), jnp.float32))
        dist = jnp.minimum(_sqrt16(jnp.maximum(stage, 0.0)), 1000000.0)
        return acc + dist

    acc = lax.fori_loop(0, _RPW // _L, block_body,
                        jnp.zeros((_L,), jnp.float32))
    acc_v[0, :] = acc
    pltpu.sync_copy(acc_v, out_hbm.at[pl.ds(wid, 1)])



def _tc_body(ft_ref, c_ref, out_ref, cb_ref):
    i = pl.program_id(0)

    @pl.when(i == 0)
    def _():
        c = c_ref[...]
        csq = jnp.sum(c * c, axis=1, keepdims=True)
        csq_hi = csq.astype(jnp.bfloat16)
        csq_lo = (csq - csq_hi.astype(jnp.float32)).astype(jnp.bfloat16)
        cb_ref[...] = jnp.concatenate(
            [(c * -2.0).astype(jnp.bfloat16), csq_hi, csq_lo], axis=1)
        out_ref[0, 0] = 0.0

    ft = ft_ref[...]
    fsq = jnp.sum(ft * ft, axis=0, keepdims=True)
    fb = ft.astype(jnp.bfloat16)
    ones2 = jnp.ones((2, ft.shape[1]), jnp.bfloat16)
    faug = jnp.concatenate([fb, ones2], axis=0)
    kb = 256
    parts = []
    for j in range(cb_ref.shape[0] // kb):
        sqc = jax.lax.dot_general(
            cb_ref[pl.ds(j * kb, kb), :], faug, (((1,), (0,)), ((), ())),
            preferred_element_type=jnp.float32)
        parts.append(jnp.min(sqc, axis=0, keepdims=True))
    minsq = jnp.min(jnp.concatenate(parts, axis=0), axis=0, keepdims=True)
    dist = jnp.minimum(jnp.sqrt(jnp.maximum(minsq + fsq, 0.0)), 1000000.0)
    out_ref[0, 0] += jnp.sum(dist)


def _tc_call(ft, centers):
    d, bn = ft.shape
    k = centers.shape[0]
    return pl.pallas_call(
        _tc_body,
        grid=(1,),
        in_specs=[
            pl.BlockSpec((d, bn), lambda i: (0, i)),
            pl.BlockSpec((k, d), lambda i: (0, 0)),
        ],
        out_specs=pl.BlockSpec((1, 1), lambda i: (0, 0),
                               memory_space=pltpu.SMEM),
        out_shape=jax.ShapeDtypeStruct((1, 1), jnp.float32),
        scratch_shapes=[pltpu.VMEM((k, d + 2), jnp.bfloat16)],
    )(ft, centers)


def kernel(features, centers):
    n = features.shape[0]
    ct = centers.T
    f_sc = features[:_SC_ROWS]
    ft_tc = features[_SC_ROWS:].T
    sc_partials = _sc_kernel(ct, f_sc)
    tc_sum = _tc_call(ft_tc, centers)
    return (tc_sum[0, 0] + jnp.sum(sc_partials)) * (1.0 / n)

# --- scband reference (transcript-rebuilt; emitter-appended) ---
"""Pipeline reference for scband-kmeans-loss-3917010174520 (READ-ONLY COPY).

The authoritative reference and input builder live on the scoring server;
editing this copy changes nothing except your own understanding.
"""

import jax, jax.numpy as jnp
import numpy as np


def setup_inputs(seed: int = 0) -> dict:
    key = jax.random.key(seed)
    k1, k2 = jax.random.split(key)
    features = jax.random.normal(k1, (16384, 16), dtype=jnp.float32)
    centers = jax.random.normal(k2, (1024, 16), dtype=jnp.float32)
    return {"features": features, "centers": centers}


def reference(features, centers):
    # Faithful vectorization of the per-feature / per-center python loops:
    # dist(f, c) = sqrt(sum((f - c)^2)); min over centers (initialized at 1e6);
    # loss = sum of per-feature min distances / num_features.
    # Pairwise squared distances via the expansion ||f||^2 + ||c||^2 - 2 f.c
    # (identical math, avoids materializing the [N, K, d] difference tensor).
    f_sq = jnp.sum(features * features, axis=1)  # [N]
    c_sq = jnp.sum(centers * centers, axis=1)    # [K]
    sq = f_sq[:, None] + c_sq[None, :] - 2.0 * (features @ centers.T)  # [N, K]
    dists = jnp.sqrt(jnp.maximum(sq, 0.0))
    min_distance = jnp.minimum(jnp.min(dists, axis=1), 1000000.0)
    loss = jnp.sum(min_distance) / features.shape[0]
    return loss

if __name__ == "__main__":
    import jax
    _d = setup_inputs()
    print(jax.jit(kernel)(*tuple(_d.values())))

</pallas_src>

<mosaic_0001>
#map = affine_map<(d0, d1) -> (0, 0)>
module attributes {stable_mosaic.version = 14 : i64} {
  func.func @_sc_kernel(%arg0: i32, %arg1: i32, %arg2: memref<16x1024xf32, #tpu.memory_space<hbm>>, %arg3: memref<512x16xf32, #tpu.memory_space<hbm>>, %arg4: memref<32x16xf32, #tpu.memory_space<hbm>>, %arg5: memref<16x1024xf32, #tpu.memory_space<vmem>>, %arg6: memref<1024xf32, #tpu.memory_space<vmem>>, %arg7: memref<16x16xf32, #tpu.memory_space<vmem>>, %arg8: memref<1x16xf32, #tpu.memory_space<vmem>>) attributes {dimension_semantics = [#tpu.dimension_semantics<core_parallel>, #tpu.dimension_semantics<subcore_parallel>], iteration_bounds = array<i64: 2, 16>, scalar_prefetch = 0 : i64, scratch_operands = 4 : i64, tpu.core_type = #tpu.core_type<sc_vector_subcore>, window_params = [{transform_indices = #map}, {transform_indices = #map}, {transform_indices = #map}]} {
    %mul3A = arith.constant 2 : i32
    %mul3A_0 = arith.muli %arg1, %mul3A : i32
    %add3A = arith.addi %mul3A_0, %arg0 : i32
    "tpu.region"() ({
      %run_scoped3A = tpu.sem_alloc : memref<!tpu.dma_semaphore, #tpu.memory_space<semaphore_mem>>
      tpu.enqueue_dma source(%arg2 : memref<16x1024xf32, #tpu.memory_space<hbm>>) target(%arg5 : memref<16x1024xf32, #tpu.memory_space<vmem>>) target_semaphore(%run_scoped3A : memref<!tpu.dma_semaphore, #tpu.memory_space<semaphore_mem>>)
      tpu.wait_dma2 semaphore(%run_scoped3A : memref<!tpu.dma_semaphore, #tpu.memory_space<semaphore_mem>>) src(%arg2 : memref<16x1024xf32, #tpu.memory_space<hbm>>) dst(%arg5 : memref<16x1024xf32, #tpu.memory_space<vmem>>)
      tpu.yield
    }) : () -> ()
    %mul3A_1 = arith.constant 16 : i32
    %mul3A_2 = arith.muli %add3A, %mul3A_1 : i32
    "tpu.region"() ({
      %run_scoped3A = tpu.sem_alloc : memref<!tpu.dma_semaphore, #tpu.memory_space<semaphore_mem>>
      %dma_start3A = arith.constant 0 : i32
      %dma_start3A_79 = tpu.memref_slice %arg3[%mul3A_2, %dma_start3A] : memref<512x16xf32, #tpu.memory_space<hbm>> -> memref<16x16xf32, #tpu.memory_space<hbm>>
      %dma_start3A_80 = arith.constant 0 : i32
      %dma_start3A_81 = tpu.memref_slice %arg3[%mul3A_2, %dma_start3A_80] : memref<512x16xf32, #tpu.memory_space<hbm>> -> memref<16x16xf32, #tpu.memory_space<hbm>>
      tpu.enqueue_dma source(%dma_start3A_81 : memref<16x16xf32, #tpu.memory_space<hbm>>) target(%arg7 : memref<16x16xf32, #tpu.memory_space<vmem>>) target_semaphore(%run_scoped3A : memref<!tpu.dma_semaphore, #tpu.memory_space<semaphore_mem>>)
      %dma_wait3A = arith.constant 0 : i32
      %dma_wait3A_82 = tpu.memref_slice %arg3[%mul3A_2, %dma_wait3A] : memref<512x16xf32, #tpu.memory_space<hbm>> -> memref<16x16xf32, #tpu.memory_space<hbm>>
      %dma_wait3A_83 = arith.constant 0 : i32
      %dma_wait3A_84 = tpu.memref_slice %arg3[%mul3A_2, %dma_wait3A_83] : memref<512x16xf32, #tpu.memory_space<hbm>> -> memref<16x16xf32, #tpu.memory_space<hbm>>
      tpu.wait_dma2 semaphore(%run_scoped3A : memref<!tpu.dma_semaphore, #tpu.memory_space<semaphore_mem>>) src(%dma_wait3A_84 : memref<16x16xf32, #tpu.memory_space<hbm>>) dst(%arg7 : memref<16x16xf32, #tpu.memory_space<vmem>>)
      tpu.yield
    }) : () -> ()
    %scan3A = arith.constant 0 : i32
    %scan3A_3 = arith.constant 0 : i32
    %scan3A_4 = arith.constant 64 : i32
    %scan3A_5 = arith.addi %scan3A_3, %scan3A_4 : i32
    %scan3A_6 = arith.constant 1 : i32
    scf.for %scan3A_79 = %scan3A_3 to %scan3A_5 step %scan3A_6  : i32 {
      %broadcast_in_dim3A_80 = arith.constant 0.000000e+00 : f32
      %broadcast_in_dim3A_81 = vector.broadcast %broadcast_in_dim3A_80 : f32 to vector<16xf32>
      %mul3A_82 = arith.constant 16 : i32
      %mul3A_83 = arith.muli %scan3A_79, %mul3A_82 : i32
      %get3A = arith.constant 0 : i32
      %get3A_84 = arith.index_cast %get3A : i32 to index
      %get3A_85 = arith.index_cast %mul3A_83 : i32 to index
      %get3A_86 = tpu.vector_load %arg5[%get3A_84, %get3A_85] {strides = array<i32>} : memref<16x1024xf32, #tpu.memory_space<vmem>>, vector<1x16xf32>,
      %get3A_87 = vector.shape_cast %get3A_86 : vector<1x16xf32> to vector<16xf32>
      %mul3A_88 = arith.mulf %get3A_87, %get3A_87 : vector<16xf32>
      %add3A_89 = arith.addf %broadcast_in_dim3A_81, %mul3A_88 : vector<16xf32>
      %mul3A_90 = arith.constant 16 : i32
      %mul3A_91 = arith.muli %scan3A_79, %mul3A_90 : i32
      %get3A_92 = arith.constant 1 : i32
      %get3A_93 = arith.index_cast %get3A_92 : i32 to index
      %get3A_94 = arith.index_cast %mul3A_91 : i32 to index
      %get3A_95 = tpu.vector_load %arg5[%get3A_93, %get3A_94] {strides = array<i32>} : memref<16x1024xf32, #tpu.memory_space<vmem>>, vector<1x16xf32>,
      %get3A_96 = vector.shape_cast %get3A_95 : vector<1x16xf32> to vector<16xf32>
      %mul3A_97 = arith.mulf %get3A_96, %get3A_96 : vector<16xf32>
      %add3A_98 = arith.addf %add3A_89, %mul3A_97 : vector<16xf32>
      %mul3A_99 = arith.constant 16 : i32
      %mul3A_100 = arith.muli %scan3A_79, %mul3A_99 : i32
      %get3A_101 = arith.constant 2 : i32
      %get3A_102 = arith.index_cast %get3A_101 : i32 to index
      %get3A_103 = arith.index_cast %mul3A_100 : i32 to index
      %get3A_104 = tpu.vector_load %arg5[%get3A_102, %get3A_103] {strides = array<i32>} : memref<16x1024xf32, #tpu.memory_space<vmem>>, vector<1x16xf32>,
      %get3A_105 = vector.shape_cast %get3A_104 : vector<1x16xf32> to vector<16xf32>
      %mul3A_106 = arith.mulf %get3A_105, %get3A_105 : vector<16xf32>
      %add3A_107 = arith.addf %add3A_98, %mul3A_106 : vector<16xf32>
      %mul3A_108 = arith.constant 16 : i32
      %mul3A_109 = arith.muli %scan3A_79, %mul3A_108 : i32
      %get3A_110 = arith.constant 3 : i32
      %get3A_111 = arith.index_cast %get3A_110 : i32 to index
      %get3A_112 = arith.index_cast %mul3A_109 : i32 to index
      %get3A_113 = tpu.vector_load %arg5[%get3A_111, %get3A_112] {strides = array<i32>} : memref<16x1024xf32, #tpu.memory_space<vmem>>, vector<1x16xf32>,
      %get3A_114 = vector.shape_cast %get3A_113 : vector<1x16xf32> to vector<16xf32>
      %mul3A_115 = arith.mulf %get3A_114, %get3A_114 : vector<16xf32>
      %add3A_116 = arith.addf %add3A_107, %mul3A_115 : vector<16xf32>
      %mul3A_117 = arith.constant 16 : i32
      %mul3A_118 = arith.muli %scan3A_79, %mul3A_117 : i32
      %get3A_119 = arith.constant 4 : i32
      %get3A_120 = arith.index_cast %get3A_119 : i32 to index
      %get3A_121 = arith.index_cast %mul3A_118 : i32 to index
      %get3A_122 = tpu.vector_load %arg5[%get3A_120, %get3A_121] {strides = array<i32>} : memref<16x1024xf32, #tpu.memory_space<vmem>>, vector<1x16xf32>,
      %get3A_123 = vector.shape_cast %get3A_122 : vector<1x16xf32> to vector<16xf32>
      %mul3A_124 = arith.mulf %get3A_123, %get3A_123 : vector<16xf32>
      %add3A_125 = arith.addf %add3A_116, %mul3A_124 : vector<16xf32>
      %mul3A_126 = arith.constant 16 : i32
      %mul3A_127 = arith.muli %scan3A_79, %mul3A_126 : i32
      %get3A_128 = arith.constant 5 : i32
      %get3A_129 = arith.index_cast %get3A_128 : i32 to index
      %get3A_130 = arith.index_cast %mul3A_127 : i32 to index
      %get3A_131 = tpu.vector_load %arg5[%get3A_129, %get3A_130] {strides = array<i32>} : memref<16x1024xf32, #tpu.memory_space<vmem>>, vector<1x16xf32>,
      %get3A_132 = vector.shape_cast %get3A_131 : vector<1x16xf32> to vector<16xf32>
      %mul3A_133 = arith.mulf %get3A_132, %get3A_132 : vector<16xf32>
      %add3A_134 = arith.addf %add3A_125, %mul3A_133 : vector<16xf32>
      %mul3A_135 = arith.constant 16 : i32
      %mul3A_136 = arith.muli %scan3A_79, %mul3A_135 : i32
      %get3A_137 = arith.constant 6 : i32
      %get3A_138 = arith.index_cast %get3A_137 : i32 to index
      %get3A_139 = arith.index_cast %mul3A_136 : i32 to index
      %get3A_140 = tpu.vector_load %arg5[%get3A_138, %get3A_139] {strides = array<i32>} : memref<16x1024xf32, #tpu.memory_space<vmem>>, vector<1x16xf32>,
      %get3A_141 = vector.shape_cast %get3A_140 : vector<1x16xf32> to vector<16xf32>
      %mul3A_142 = arith.mulf %get3A_141, %get3A_141 : vector<16xf32>
      %add3A_143 = arith.addf %add3A_134, %mul3A_142 : vector<16xf32>
      %mul3A_144 = arith.constant 16 : i32
      %mul3A_145 = arith.muli %scan3A_79, %mul3A_144 : i32
      %get3A_146 = arith.constant 7 : i32
      %get3A_147 = arith.index_cast %get3A_146 : i32 to index
      %get3A_148 = arith.index_cast %mul3A_145 : i32 to index
      %get3A_149 = tpu.vector_load %arg5[%get3A_147, %get3A_148] {strides = array<i32>} : memref<16x1024xf32, #tpu.memory_space<vmem>>, vector<1x16xf32>,
      %get3A_150 = vector.shape_cast %get3A_149 : vector<1x16xf32> to vector<16xf32>
      %mul3A_151 = arith.mulf %get3A_150, %get3A_150 : vector<16xf32>
      %add3A_152 = arith.addf %add3A_143, %mul3A_151 : vector<16xf32>
      %mul3A_153 = arith.constant 16 : i32
      %mul3A_154 = arith.muli %scan3A_79, %mul3A_153 : i32
      %get3A_155 = arith.constant 8 : i32
      %get3A_156 = arith.index_cast %get3A_155 : i32 to index
      %get3A_157 = arith.index_cast %mul3A_154 : i32 to index
      %get3A_158 = tpu.vector_load %arg5[%get3A_156, %get3A_157] {strides = array<i32>} : memref<16x1024xf32, #tpu.memory_space<vmem>>, vector<1x16xf32>,
      %get3A_159 = vector.shape_cast %get3A_158 : vector<1x16xf32> to vector<16xf32>
      %mul3A_160 = arith.mulf %get3A_159, %get3A_159 : vector<16xf32>
      %add3A_161 = arith.addf %add3A_152, %mul3A_160 : vector<16xf32>
      %mul3A_162 = arith.constant 16 : i32
      %mul3A_163 = arith.muli %scan3A_79, %mul3A_162 : i32
      %get3A_164 = arith.constant 9 : i32
      %get3A_165 = arith.index_cast %get3A_164 : i32 to index
      %get3A_166 = arith.index_cast %mul3A_163 : i32 to index
      %get3A_167 = tpu.vector_load %arg5[%get3A_165, %get3A_166] {strides = array<i32>} : memref<16x1024xf32, #tpu.memory_space<vmem>>, vector<1x16xf32>,
      %get3A_168 = vector.shape_cast %get3A_167 : vector<1x16xf32> to vector<16xf32>
      %mul3A_169 = arith.mulf %get3A_168, %get3A_168 : vector<16xf32>
      %add3A_170 = arith.addf %add3A_161, %mul3A_169 : vector<16xf32>
      %mul3A_171 = arith.constant 16 : i32
      %mul3A_172 = arith.muli %scan3A_79, %mul3A_171 : i32
      %get3A_173 = arith.constant 10 : i32
      %get3A_174 = arith.index_cast %get3A_173 : i32 to index
      %get3A_175 = arith.index_cast %mul3A_172 : i32 to index
      %get3A_176 = tpu.vector_load %arg5[%get3A_174, %get3A_175] {strides = array<i32>} : memref<16x1024xf32, #tpu.memory_space<vmem>>, vector<1x16xf32>,
      %get3A_177 = vector.shape_cast %get3A_176 : vector<1x16xf32> to vector<16xf32>
      %mul3A_178 = arith.mulf %get3A_177, %get3A_177 : vector<16xf32>
      %add3A_179 = arith.addf %add3A_170, %mul3A_178 : vector<16xf32>
      %mul3A_180 = arith.constant 16 : i32
      %mul3A_181 = arith.muli %scan3A_79, %mul3A_180 : i32
      %get3A_182 = arith.constant 11 : i32
      %get3A_183 = arith.index_cast %get3A_182 : i32 to index
      %get3A_184 = arith.index_cast %mul3A_181 : i32 to index
      %get3A_185 = tpu.vector_load %arg5[%get3A_183, %get3A_184] {strides = array<i32>} : memref<16x1024xf32, #tpu.memory_space<vmem>>, vector<1x16xf32>,
      %get3A_186 = vector.shape_cast %get3A_185 : vector<1x16xf32> to vector<16xf32>
      %mul3A_187 = arith.mulf %get3A_186, %get3A_186 : vector<16xf32>
      %add3A_188 = arith.addf %add3A_179, %mul3A_187 : vector<16xf32>
      %mul3A_189 = arith.constant 16 : i32
      %mul3A_190 = arith.muli %scan3A_79, %mul3A_189 : i32
      %get3A_191 = arith.constant 12 : i32
      %get3A_192 = arith.index_cast %get3A_191 : i32 to index
      %get3A_193 = arith.index_cast %mul3A_190 : i32 to index
      %get3A_194 = tpu.vector_load %arg5[%get3A_192, %get3A_193] {strides = array<i32>} : memref<16x1024xf32, #tpu.memory_space<vmem>>, vector<1x16xf32>,
      %get3A_195 = vector.shape_cast %get3A_194 : vector<1x16xf32> to vector<16xf32>
      %mul3A_196 = arith.mulf %get3A_195, %get3A_195 : vector<16xf32>
      %add3A_197 = arith.addf %add3A_188, %mul3A_196 : vector<16xf32>
      %mul3A_198 = arith.constant 16 : i32
      %mul3A_199 = arith.muli %scan3A_79, %mul3A_198 : i32
      %get3A_200 = arith.constant 13 : i32
      %get3A_201 = arith.index_cast %get3A_200 : i32 to index
      %get3A_202 = arith.index_cast %mul3A_199 : i32 to index
      %get3A_203 = tpu.vector_load %arg5[%get3A_201, %get3A_202] {strides = array<i32>} : memref<16x1024xf32, #tpu.memory_space<vmem>>, vector<1x16xf32>,
      %get3A_204 = vector.shape_cast %get3A_203 : vector<1x16xf32> to vector<16xf32>
      %mul3A_205 = arith.mulf %get3A_204, %get3A_204 : vector<16xf32>
      %add3A_206 = arith.addf %add3A_197, %mul3A_205 : vector<16xf32>
      %mul3A_207 = arith.constant 16 : i32
      %mul3A_208 = arith.muli %scan3A_79, %mul3A_207 : i32
      %get3A_209 = arith.constant 14 : i32
      %get3A_210 = arith.index_cast %get3A_209 : i32 to index
      %get3A_211 = arith.index_cast %mul3A_208 : i32 to index
      %get3A_212 = tpu.vector_load %arg5[%get3A_210, %get3A_211] {strides = array<i32>} : memref<16x1024xf32, #tpu.memory_space<vmem>>, vector<1x16xf32>,
      %get3A_213 = vector.shape_cast %get3A_212 : vector<1x16xf32> to vector<16xf32>
      %mul3A_214 = arith.mulf %get3A_213, %get3A_213 : vector<16xf32>
      %add3A_215 = arith.addf %add3A_206, %mul3A_214 : vector<16xf32>
      %mul3A_216 = arith.constant 16 : i32
      %mul3A_217 = arith.muli %scan3A_79, %mul3A_216 : i32
      %get3A_218 = arith.constant 15 : i32
      %get3A_219 = arith.index_cast %get3A_218 : i32 to index
      %get3A_220 = arith.index_cast %mul3A_217 : i32 to index
      %get3A_221 = tpu.vector_load %arg5[%get3A_219, %get3A_220] {strides = array<i32>} : memref<16x1024xf32, #tpu.memory_space<vmem>>, vector<1x16xf32>,
      %get3A_222 = vector.shape_cast %get3A_221 : vector<1x16xf32> to vector<16xf32>
      %mul3A_223 = arith.mulf %get3A_222, %get3A_222 : vector<16xf32>
      %add3A_224 = arith.addf %add3A_215, %mul3A_223 : vector<16xf32>
      %mul3A_225 = arith.constant 16 : i32
      %mul3A_226 = arith.muli %scan3A_79, %mul3A_225 : i32
      %swap3A_227 = arith.index_cast %mul3A_226 : i32 to index
      %swap3A_228 = tpu.vector_load %arg6[%swap3A_227] {strides = array<i32>} : memref<1024xf32, #tpu.memory_space<vmem>>, vector<16xf32>,
      %swap3A_229 = vector.shape_cast %swap3A_228 : vector<16xf32> to vector<16xf32>
      %swap3A_230 = vector.shape_cast %add3A_224 : vector<16xf32> to vector<16xf32>
      tpu.vector_store %arg6[%swap3A_227], %swap3A_230 {strides = array<i32>} : memref<1024xf32, #tpu.memory_space<vmem>>, vector<16xf32>,
    }
    %scan3A_7 = arith.constant 64 : i32
    %iota3A = tpu.iota {dimensions = array<i32: 0>} : vector<16xi32>
    %broadcast_in_dim3A = arith.constant 1.000000e+30 : f32
    %broadcast_in_dim3A_8 = vector.broadcast %broadcast_in_dim3A : f32 to vector<16xf32>
    %broadcast_in_dim3A_9 = arith.constant 0.000000e+00 : f32
    %broadcast_in_dim3A_10 = vector.broadcast %broadcast_in_dim3A_9 : f32 to vector<16xf32>
    %scan3A_11 = arith.constant 0 : i32
    %broadcast_in_dim3A_12 = arith.constant 0.000000e+00 : f32
    %broadcast_in_dim3A_13 = vector.broadcast %broadcast_in_dim3A_12 : f32 to vector<16xf32>
    %scan3A_14 = arith.constant 0 : i32
    %scan3A_15 = arith.constant 8 : i32
    %scan3A_16 = arith.addi %scan3A_14, %scan3A_15 : i32
    %scan3A_17 = arith.constant 1 : i32
    %scan3A_18 = scf.for %scan3A_79 = %scan3A_14 to %scan3A_16 step %scan3A_17 iter_args(%scan3A_80 = %broadcast_in_dim3A_13) -> (vector<16xf32>)  : i32 {
      %mul3A_81 = arith.constant 8 : i32
      %mul3A_82 = arith.muli %scan3A_11, %mul3A_81 : i32
      %add3A_83 = arith.addi %mul3A_82, %scan3A_79 : i32
      %mul3A_84 = arith.constant 2 : i32
      %mul3A_85 = arith.muli %add3A_83, %mul3A_84 : i32
      %get3A = arith.index_cast %mul3A_85 : i32 to index
      %get3A_86 = arith.constant 0 : index
      %get3A_87 = tpu.vector_load %arg7[%get3A, %get3A_86] {strides = array<i32>} : memref<16x16xf32, #tpu.memory_space<vmem>>, vector<1x16xf32>,
      %get3A_88 = vector.shape_cast %get3A_87 : vector<1x16xf32> to vector<16xf32>
      %add3A_89 = arith.constant 1 : i32
      %add3A_90 = arith.addi %mul3A_85, %add3A_89 : i32
      %get3A_91 = arith.index_cast %add3A_90 : i32 to index
      %get3A_92 = arith.constant 0 : index
      %get3A_93 = tpu.vector_load %arg7[%get3A_91, %get3A_92] {strides = array<i32>} : memref<16x16xf32, #tpu.memory_space<vmem>>, vector<1x16xf32>,
      %get3A_94 = vector.shape_cast %get3A_93 : vector<1x16xf32> to vector<16xf32>
      %slice3A = vector.extract_strided_slice %get3A_88 {offsets = [0], sizes = [1], strides = [1]} : vector<16xf32> to vector<1xf32>
      %squeeze3A = vector.extract %slice3A[0] : f32 from vector<1xf32>
      %slice3A_95 = vector.extract_strided_slice %get3A_88 {offsets = [1], sizes = [1], strides = [1]} : vector<16xf32> to vector<1xf32>
      %squeeze3A_96 = vector.extract %slice3A_95[0] : f32 from vector<1xf32>
      %slice3A_97 = vector.extract_strided_slice %get3A_88 {offsets = [2], sizes = [1], strides = [1]} : vector<16xf32> to vector<1xf32>
      %squeeze3A_98 = vector.extract %slice3A_97[0] : f32 from vector<1xf32>
      %slice3A_99 = vector.extract_strided_slice %get3A_88 {offsets = [3], sizes = [1], strides = [1]} : vector<16xf32> to vector<1xf32>
      %squeeze3A_100 = vector.extract %slice3A_99[0] : f32 from vector<1xf32>
      %slice3A_101 = vector.extract_strided_slice %get3A_88 {offsets = [4], sizes = [1], strides = [1]} : vector<16xf32> to vector<1xf32>
      %squeeze3A_102 = vector.extract %slice3A_101[0] : f32 from vector<1xf32>
      %slice3A_103 = vector.extract_strided_slice %get3A_88 {offsets = [5], sizes = [1], strides = [1]} : vector<16xf32> to vector<1xf32>
      %squeeze3A_104 = vector.extract %slice3A_103[0] : f32 from vector<1xf32>
      %slice3A_105 = vector.extract_strided_slice %get3A_88 {offsets = [6], sizes = [1], strides = [1]} : vector<16xf32> to vector<1xf32>
      %squeeze3A_106 = vector.extract %slice3A_105[0] : f32 from vector<1xf32>
      %slice3A_107 = vector.extract_strided_slice %get3A_88 {offsets = [7], sizes = [1], strides = [1]} : vector<16xf32> to vector<1xf32>
      %squeeze3A_108 = vector.extract %slice3A_107[0] : f32 from vector<1xf32>
      %slice3A_109 = vector.extract_strided_slice %get3A_88 {offsets = [8], sizes = [1], strides = [1]} : vector<16xf32> to vector<1xf32>
      %squeeze3A_110 = vector.extract %slice3A_109[0] : f32 from vector<1xf32>
      %slice3A_111 = vector.extract_strided_slice %get3A_88 {offsets = [9], sizes = [1], strides = [1]} : vector<16xf32> to vector<1xf32>
      %squeeze3A_112 = vector.extract %slice3A_111[0] : f32 from vector<1xf32>
      %slice3A_113 = vector.extract_strided_slice %get3A_88 {offsets = [10], sizes = [1], strides = [1]} : vector<16xf32> to vector<1xf32>
      %squeeze3A_114 = vector.extract %slice3A_113[0] : f32 from vector<1xf32>
      %slice3A_115 = vector.extract_strided_slice %get3A_88 {offsets = [11], sizes = [1], strides = [1]} : vector<16xf32> to vector<1xf32>
      %squeeze3A_116 = vector.extract %slice3A_115[0] : f32 from vector<1xf32>
      %slice3A_117 = vector.extract_strided_slice %get3A_88 {offsets = [12], sizes = [1], strides = [1]} : vector<16xf32> to vector<1xf32>
      %squeeze3A_118 = vector.extract %slice3A_117[0] : f32 from vector<1xf32>
      %slice3A_119 = vector.extract_strided_slice %get3A_88 {offsets = [13], sizes = [1], strides = [1]} : vector<16xf32> to vector<1xf32>
      %squeeze3A_120 = vector.extract %slice3A_119[0] : f32 from vector<1xf32>
      %slice3A_121 = vector.extract_strided_slice %get3A_88 {offsets = [14], sizes = [1], strides = [1]} : vector<16xf32> to vector<1xf32>
      %squeeze3A_122 = vector.extract %slice3A_121[0] : f32 from vector<1xf32>
      %slice3A_123 = vector.extract_strided_slice %get3A_88 {offsets = [15], sizes = [1], strides = [1]} : vector<16xf32> to vector<1xf32>
      %squeeze3A_124 = vector.extract %slice3A_123[0] : f32 from vector<1xf32>
      %slice3A_125 = vector.extract_strided_slice %get3A_94 {offsets = [0], sizes = [1], strides = [1]} : vector<16xf32> to vector<1xf32>
      %squeeze3A_126 = vector.extract %slice3A_125[0] : f32 from vector<1xf32>
      %slice3A_127 = vector.extract_strided_slice %get3A_94 {offsets = [1], sizes = [1], strides = [1]} : vector<16xf32> to vector<1xf32>
      %squeeze3A_128 = vector.extract %slice3A_127[0] : f32 from vector<1xf32>
      %slice3A_129 = vector.extract_strided_slice %get3A_94 {offsets = [2], sizes = [1], strides = [1]} : vector<16xf32> to vector<1xf32>
      %squeeze3A_130 = vector.extract %slice3A_129[0] : f32 from vector<1xf32>
      %slice3A_131 = vector.extract_strided_slice %get3A_94 {offsets = [3], sizes = [1], strides = [1]} : vector<16xf32> to vector<1xf32>
      %squeeze3A_132 = vector.extract %slice3A_131[0] : f32 from vector<1xf32>
      %slice3A_133 = vector.extract_strided_slice %get3A_94 {offsets = [4], sizes = [1], strides = [1]} : vector<16xf32> to vector<1xf32>
      %squeeze3A_134 = vector.extract %slice3A_133[0] : f32 from vector<1xf32>
      %slice3A_135 = vector.extract_strided_slice %get3A_94 {offsets = [5], sizes = [1], strides = [1]} : vector<16xf32> to vector<1xf32>
      %squeeze3A_136 = vector.extract %slice3A_135[0] : f32 from vector<1xf32>
      %slice3A_137 = vector.extract_strided_slice %get3A_94 {offsets = [6], sizes = [1], strides = [1]} : vector<16xf32> to vector<1xf32>
      %squeeze3A_138 = vector.extract %slice3A_137[0] : f32 from vector<1xf32>
      %slice3A_139 = vector.extract_strided_slice %get3A_94 {offsets = [7], sizes = [1], strides = [1]} : vector<16xf32> to vector<1xf32>
      %squeeze3A_140 = vector.extract %slice3A_139[0] : f32 from vector<1xf32>
      %slice3A_141 = vector.extract_strided_slice %get3A_94 {offsets = [8], sizes = [1], strides = [1]} : vector<16xf32> to vector<1xf32>
      %squeeze3A_142 = vector.extract %slice3A_141[0] : f32 from vector<1xf32>
      %slice3A_143 = vector.extract_strided_slice %get3A_94 {offsets = [9], sizes = [1], strides = [1]} : vector<16xf32> to vector<1xf32>
      %squeeze3A_144 = vector.extract %slice3A_143[0] : f32 from vector<1xf32>
      %slice3A_145 = vector.extract_strided_slice %get3A_94 {offsets = [10], sizes = [1], strides = [1]} : vector<16xf32> to vector<1xf32>
      %squeeze3A_146 = vector.extract %slice3A_145[0] : f32 from vector<1xf32>
      %slice3A_147 = vector.extract_strided_slice %get3A_94 {offsets = [11], sizes = [1], strides = [1]} : vector<16xf32> to vector<1xf32>
      %squeeze3A_148 = vector.extract %slice3A_147[0] : f32 from vector<1xf32>
      %slice3A_149 = vector.extract_strided_slice %get3A_94 {offsets = [12], sizes = [1], strides = [1]} : vector<16xf32> to vector<1xf32>
      %squeeze3A_150 = vector.extract %slice3A_149[0] : f32 from vector<1xf32>
      %slice3A_151 = vector.extract_strided_slice %get3A_94 {offsets = [13], sizes = [1], strides = [1]} : vector<16xf32> to vector<1xf32>
      %squeeze3A_152 = vector.extract %slice3A_151[0] : f32 from vector<1xf32>
      %slice3A_153 = vector.extract_strided_slice %get3A_94 {offsets = [14], sizes = [1], strides = [1]} : vector<16xf32> to vector<1xf32>
      %squeeze3A_154 = vector.extract %slice3A_153[0] : f32 from vector<1xf32>
      %slice3A_155 = vector.extract_strided_slice %get3A_94 {offsets = [15], sizes = [1], strides = [1]} : vector<16xf32> to vector<1xf32>
      %squeeze3A_156 = vector.extract %slice3A_155[0] : f32 from vector<1xf32>
      %mul3A_157 = arith.mulf %squeeze3A, %squeeze3A : f32
      %mul3A_158 = arith.mulf %squeeze3A_126, %squeeze3A_126 : f32
      %mul3A_159 = arith.mulf %squeeze3A_96, %squeeze3A_96 : f32
      %add3A_160 = arith.addf %mul3A_157, %mul3A_159 : f32
      %mul3A_161 = arith.mulf %squeeze3A_128, %squeeze3A_128 : f32
      %add3A_162 = arith.addf %mul3A_158, %mul3A_161 : f32
      %mul3A_163 = arith.mulf %squeeze3A_98, %squeeze3A_98 : f32
      %add3A_164 = arith.addf %add3A_160, %mul3A_163 : f32
      %mul3A_165 = arith.mulf %squeeze3A_130, %squeeze3A_130 : f32
      %add3A_166 = arith.addf %add3A_162, %mul3A_165 : f32
      %mul3A_167 = arith.mulf %squeeze3A_100, %squeeze3A_100 : f32
      %add3A_168 = arith.addf %add3A_164, %mul3A_167 : f32
      %mul3A_169 = arith.mulf %squeeze3A_132, %squeeze3A_132 : f32
      %add3A_170 = arith.addf %add3A_166, %mul3A_169 : f32
      %mul3A_171 = arith.mulf %squeeze3A_102, %squeeze3A_102 : f32
      %add3A_172 = arith.addf %add3A_168, %mul3A_171 : f32
      %mul3A_173 = arith.mulf %squeeze3A_134, %squeeze3A_134 : f32
      %add3A_174 = arith.addf %add3A_170, %mul3A_173 : f32
      %mul3A_175 = arith.mulf %squeeze3A_104, %squeeze3A_104 : f32
      %add3A_176 = arith.addf %add3A_172, %mul3A_175 : f32
      %mul3A_177 = arith.mulf %squeeze3A_136, %squeeze3A_136 : f32
      %add3A_178 = arith.addf %add3A_174, %mul3A_177 : f32
      %mul3A_179 = arith.mulf %squeeze3A_106, %squeeze3A_106 : f32
      %add3A_180 = arith.addf %add3A_176, %mul3A_179 : f32
      %mul3A_181 = arith.mulf %squeeze3A_138, %squeeze3A_138 : f32
      %add3A_182 = arith.addf %add3A_178, %mul3A_181 : f32
      %mul3A_183 = arith.mulf %squeeze3A_108, %squeeze3A_108 : f32
      %add3A_184 = arith.addf %add3A_180, %mul3A_183 : f32
      %mul3A_185 = arith.mulf %squeeze3A_140, %squeeze3A_140 : f32
      %add3A_186 = arith.addf %add3A_182, %mul3A_185 : f32
      %mul3A_187 = arith.mulf %squeeze3A_110, %squeeze3A_110 : f32
      %add3A_188 = arith.addf %add3A_184, %mul3A_187 : f32
      %mul3A_189 = arith.mulf %squeeze3A_142, %squeeze3A_142 : f32
      %add3A_190 = arith.addf %add3A_186, %mul3A_189 : f32
      %mul3A_191 = arith.mulf %squeeze3A_112, %squeeze3A_112 : f32
      %add3A_192 = arith.addf %add3A_188, %mul3A_191 : f32
      %mul3A_193 = arith.mulf %squeeze3A_144, %squeeze3A_144 : f32
      %add3A_194 = arith.addf %add3A_190, %mul3A_193 : f32
      %mul3A_195 = arith.mulf %squeeze3A_114, %squeeze3A_114 : f32
      %add3A_196 = arith.addf %add3A_192, %mul3A_195 : f32
      %mul3A_197 = arith.mulf %squeeze3A_146, %squeeze3A_146 : f32
      %add3A_198 = arith.addf %add3A_194, %mul3A_197 : f32
      %mul3A_199 = arith.mulf %squeeze3A_116, %squeeze3A_116 : f32
      %add3A_200 = arith.addf %add3A_196, %mul3A_199 : f32
      %mul3A_201 = arith.mulf %squeeze3A_148, %squeeze3A_148 : f32
      %add3A_202 = arith.addf %add3A_198, %mul3A_201 : f32
      %mul3A_203 = arith.mulf %squeeze3A_118, %squeeze3A_118 : f32
      %add3A_204 = arith.addf %add3A_200, %mul3A_203 : f32
      %mul3A_205 = arith.mulf %squeeze3A_150, %squeeze3A_150 : f32
      %add3A_206 = arith.addf %add3A_202, %mul3A_205 : f32
      %mul3A_207 = arith.mulf %squeeze3A_120, %squeeze3A_120 : f32
      %add3A_208 = arith.addf %add3A_204, %mul3A_207 : f32
      %mul3A_209 = arith.mulf %squeeze3A_152, %squeeze3A_152 : f32
      %add3A_210 = arith.addf %add3A_206, %mul3A_209 : f32
      %mul3A_211 = arith.mulf %squeeze3A_122, %squeeze3A_122 : f32
      %add3A_212 = arith.addf %add3A_208, %mul3A_211 : f32
      %mul3A_213 = arith.mulf %squeeze3A_154, %squeeze3A_154 : f32
      %add3A_214 = arith.addf %add3A_210, %mul3A_213 : f32
      %mul3A_215 = arith.mulf %squeeze3A_124, %squeeze3A_124 : f32
      %add3A_216 = arith.addf %add3A_212, %mul3A_215 : f32
      %mul3A_217 = arith.mulf %squeeze3A_156, %squeeze3A_156 : f32
      %add3A_218 = arith.addf %add3A_214, %mul3A_217 : f32
      %mul3A_219 = arith.constant -2.000000e+00 : f32
      %mul3A_220 = arith.mulf %squeeze3A, %mul3A_219 : f32
      %broadcast_in_dim3A_221 = vector.broadcast %mul3A_220 : f32 to vector<16xf32>
      %mul3A_222 = arith.constant -2.000000e+00 : f32
      %mul3A_223 = arith.mulf %squeeze3A_96, %mul3A_222 : f32
      %broadcast_in_dim3A_224 = vector.broadcast %mul3A_223 : f32 to vector<16xf32>
      %mul3A_225 = arith.constant -2.000000e+00 : f32
      %mul3A_226 = arith.mulf %squeeze3A_98, %mul3A_225 : f32
      %broadcast_in_dim3A_227 = vector.broadcast %mul3A_226 : f32 to vector<16xf32>
      %mul3A_228 = arith.constant -2.000000e+00 : f32
      %mul3A_229 = arith.mulf %squeeze3A_100, %mul3A_228 : f32
      %broadcast_in_dim3A_230 = vector.broadcast %mul3A_229 : f32 to vector<16xf32>
      %mul3A_231 = arith.constant -2.000000e+00 : f32
      %mul3A_232 = arith.mulf %squeeze3A_102, %mul3A_231 : f32
      %broadcast_in_dim3A_233 = vector.broadcast %mul3A_232 : f32 to vector<16xf32>
      %mul3A_234 = arith.constant -2.000000e+00 : f32
      %mul3A_235 = arith.mulf %squeeze3A_104, %mul3A_234 : f32
      %broadcast_in_dim3A_236 = vector.broadcast %mul3A_235 : f32 to vector<16xf32>
      %mul3A_237 = arith.constant -2.000000e+00 : f32
      %mul3A_238 = arith.mulf %squeeze3A_106, %mul3A_237 : f32
      %broadcast_in_dim3A_239 = vector.broadcast %mul3A_238 : f32 to vector<16xf32>
      %mul3A_240 = arith.constant -2.000000e+00 : f32
      %mul3A_241 = arith.mulf %squeeze3A_108, %mul3A_240 : f32
      %broadcast_in_dim3A_242 = vector.broadcast %mul3A_241 : f32 to vector<16xf32>
      %mul3A_243 = arith.constant -2.000000e+00 : f32
      %mul3A_244 = arith.mulf %squeeze3A_110, %mul3A_243 : f32
      %broadcast_in_dim3A_245 = vector.broadcast %mul3A_244 : f32 to vector<16xf32>
      %mul3A_246 = arith.constant -2.000000e+00 : f32
      %mul3A_247 = arith.mulf %squeeze3A_112, %mul3A_246 : f32
      %broadcast_in_dim3A_248 = vector.broadcast %mul3A_247 : f32 to vector<16xf32>
      %mul3A_249 = arith.constant -2.000000e+00 : f32
      %mul3A_250 = arith.mulf %squeeze3A_114, %mul3A_249 : f32
      %broadcast_in_dim3A_251 = vector.broadcast %mul3A_250 : f32 to vector<16xf32>
      %mul3A_252 = arith.constant -2.000000e+00 : f32
      %mul3A_253 = arith.mulf %squeeze3A_116, %mul3A_252 : f32
      %broadcast_in_dim3A_254 = vector.broadcast %mul3A_253 : f32 to vector<16xf32>
      %mul3A_255 = arith.constant -2.000000e+00 : f32
      %mul3A_256 = arith.mulf %squeeze3A_118, %mul3A_255 : f32
      %broadcast_in_dim3A_257 = vector.broadcast %mul3A_256 : f32 to vector<16xf32>
      %mul3A_258 = arith.constant -2.000000e+00 : f32
      %mul3A_259 = arith.mulf %squeeze3A_120, %mul3A_258 : f32
      %broadcast_in_dim3A_260 = vector.broadcast %mul3A_259 : f32 to vector<16xf32>
      %mul3A_261 = arith.constant -2.000000e+00 : f32
      %mul3A_262 = arith.mulf %squeeze3A_122, %mul3A_261 : f32
      %broadcast_in_dim3A_263 = vector.broadcast %mul3A_262 : f32 to vector<16xf32>
      %mul3A_264 = arith.constant -2.000000e+00 : f32
      %mul3A_265 = arith.mulf %squeeze3A_124, %mul3A_264 : f32
      %broadcast_in_dim3A_266 = vector.broadcast %mul3A_265 : f32 to vector<16xf32>
      %mul3A_267 = arith.constant -2.000000e+00 : f32
      %mul3A_268 = arith.mulf %squeeze3A_126, %mul3A_267 : f32
      %broadcast_in_dim3A_269 = vector.broadcast %mul3A_268 : f32 to vector<16xf32>
      %mul3A_270 = arith.constant -2.000000e+00 : f32
      %mul3A_271 = arith.mulf %squeeze3A_128, %mul3A_270 : f32
      %broadcast_in_dim3A_272 = vector.broadcast %mul3A_271 : f32 to vector<16xf32>
      %mul3A_273 = arith.constant -2.000000e+00 : f32
      %mul3A_274 = arith.mulf %squeeze3A_130, %mul3A_273 : f32
      %broadcast_in_dim3A_275 = vector.broadcast %mul3A_274 : f32 to vector<16xf32>
      %mul3A_276 = arith.constant -2.000000e+00 : f32
      %mul3A_277 = arith.mulf %squeeze3A_132, %mul3A_276 : f32
      %broadcast_in_dim3A_278 = vector.broadcast %mul3A_277 : f32 to vector<16xf32>
      %mul3A_279 = arith.constant -2.000000e+00 : f32
      %mul3A_280 = arith.mulf %squeeze3A_134, %mul3A_279 : f32
      %broadcast_in_dim3A_281 = vector.broadcast %mul3A_280 : f32 to vector<16xf32>
      %mul3A_282 = arith.constant -2.000000e+00 : f32
      %mul3A_283 = arith.mulf %squeeze3A_136, %mul3A_282 : f32
      %broadcast_in_dim3A_284 = vector.broadcast %mul3A_283 : f32 to vector<16xf32>
      %mul3A_285 = arith.constant -2.000000e+00 : f32
      %mul3A_286 = arith.mulf %squeeze3A_138, %mul3A_285 : f32
      %broadcast_in_dim3A_287 = vector.broadcast %mul3A_286 : f32 to vector<16xf32>
      %mul3A_288 = arith.constant -2.000000e+00 : f32
      %mul3A_289 = arith.mulf %squeeze3A_140, %mul3A_288 : f32
      %broadcast_in_dim3A_290 = vector.broadcast %mul3A_289 : f32 to vector<16xf32>
      %mul3A_291 = arith.constant -2.000000e+00 : f32
      %mul3A_292 = arith.mulf %squeeze3A_142, %mul3A_291 : f32
      %broadcast_in_dim3A_293 = vector.broadcast %mul3A_292 : f32 to vector<16xf32>
      %mul3A_294 = arith.constant -2.000000e+00 : f32
      %mul3A_295 = arith.mulf %squeeze3A_144, %mul3A_294 : f32
      %broadcast_in_dim3A_296 = vector.broadcast %mul3A_295 : f32 to vector<16xf32>
      %mul3A_297 = arith.constant -2.000000e+00 : f32
      %mul3A_298 = arith.mulf %squeeze3A_146, %mul3A_297 : f32
      %broadcast_in_dim3A_299 = vector.broadcast %mul3A_298 : f32 to vector<16xf32>
      %mul3A_300 = arith.constant -2.000000e+00 : f32
      %mul3A_301 = arith.mulf %squeeze3A_148, %mul3A_300 : f32
      %broadcast_in_dim3A_302 = vector.broadcast %mul3A_301 : f32 to vector<16xf32>
      %mul3A_303 = arith.constant -2.000000e+00 : f32
      %mul3A_304 = arith.mulf %squeeze3A_150, %mul3A_303 : f32
      %broadcast_in_dim3A_305 = vector.broadcast %mul3A_304 : f32 to vector<16xf32>
      %mul3A_306 = arith.constant -2.000000e+00 : f32
      %mul3A_307 = arith.mulf %squeeze3A_152, %mul3A_306 : f32
      %broadcast_in_dim3A_308 = vector.broadcast %mul3A_307 : f32 to vector<16xf32>
      %mul3A_309 = arith.constant -2.000000e+00 : f32
      %mul3A_310 = arith.mulf %squeeze3A_154, %mul3A_309 : f32
      %broadcast_in_dim3A_311 = vector.broadcast %mul3A_310 : f32 to vector<16xf32>
      %mul3A_312 = arith.constant -2.000000e+00 : f32
      %mul3A_313 = arith.mulf %squeeze3A_156, %mul3A_312 : f32
      %broadcast_in_dim3A_314 = vector.broadcast %mul3A_313 : f32 to vector<16xf32>
      %scan3A_315 = arith.constant 0 : i32
      %scan3A_316 = arith.constant 64 : i32
      %scan3A_317 = arith.addi %scan3A_315, %scan3A_316 : i32
      %scan3A_318 = arith.constant 1 : i32
      %scan3A_319:2 = scf.for %scan3A_429 = %scan3A_315 to %scan3A_317 step %scan3A_318 iter_args(%scan3A_430 = %broadcast_in_dim3A_8, %scan3A_431 = %broadcast_in_dim3A_8) -> (vector<16xf32>, vector<16xf32>)  : i32 {
        %mul3A_432 = arith.constant 16 : i32
        %mul3A_433 = arith.muli %scan3A_429, %mul3A_432 : i32
        %get3A_434 = arith.index_cast %mul3A_433 : i32 to index
        %get3A_435 = tpu.vector_load %arg6[%get3A_434] {strides = array<i32>} : memref<1024xf32, #tpu.memory_space<vmem>>, vector<16xf32>,
        %get3A_436 = vector.shape_cast %get3A_435 : vector<16xf32> to vector<16xf32>
        %mul3A_437 = arith.constant 16 : i32
        %mul3A_438 = arith.muli %scan3A_429, %mul3A_437 : i32
        %get3A_439 = arith.constant 0 : i32
        %get3A_440 = arith.index_cast %get3A_439 : i32 to index
        %get3A_441 = arith.index_cast %mul3A_438 : i32 to index
        %get3A_442 = tpu.vector_load %arg5[%get3A_440, %get3A_441] {strides = array<i32>} : memref<16x1024xf32, #tpu.memory_space<vmem>>, vector<1x16xf32>,
        %get3A_443 = vector.shape_cast %get3A_442 : vector<1x16xf32> to vector<16xf32>
        %mul3A_444 = arith.mulf %broadcast_in_dim3A_221, %get3A_443 : vector<16xf32>
        %add3A_445 = arith.addf %get3A_436, %mul3A_444 : vector<16xf32>
        %mul3A_446 = arith.mulf %broadcast_in_dim3A_269, %get3A_443 : vector<16xf32>
        %add3A_447 = arith.addf %get3A_436, %mul3A_446 : vector<16xf32>
        %mul3A_448 = arith.constant 16 : i32
        %mul3A_449 = arith.muli %scan3A_429, %mul3A_448 : i32
        %get3A_450 = arith.constant 1 : i32
        %get3A_451 = arith.index_cast %get3A_450 : i32 to index
        %get3A_452 = arith.index_cast %mul3A_449 : i32 to index
        %get3A_453 = tpu.vector_load %arg5[%get3A_451, %get3A_452] {strides = array<i32>} : memref<16x1024xf32, #tpu.memory_space<vmem>>, vector<1x16xf32>,
        %get3A_454 = vector.shape_cast %get3A_453 : vector<1x16xf32> to vector<16xf32>
        %mul3A_455 = arith.mulf %broadcast_in_dim3A_224, %get3A_454 : vector<16xf32>
        %add3A_456 = arith.addf %add3A_445, %mul3A_455 : vector<16xf32>
        %mul3A_457 = arith.mulf %broadcast_in_dim3A_272, %get3A_454 : vector<16xf32>
        %add3A_458 = arith.addf %add3A_447, %mul3A_457 : vector<16xf32>
        %mul3A_459 = arith.constant 16 : i32
        %mul3A_460 = arith.muli %scan3A_429, %mul3A_459 : i32
        %get3A_461 = arith.constant 2 : i32
        %get3A_462 = arith.index_cast %get3A_461 : i32 to index
        %get3A_463 = arith.index_cast %mul3A_460 : i32 to index
        %get3A_464 = tpu.vector_load %arg5[%get3A_462, %get3A_463] {strides = array<i32>} : memref<16x1024xf32, #tpu.memory_space<vmem>>, vector<1x16xf32>,
        %get3A_465 = vector.shape_cast %get3A_464 : vector<1x16xf32> to vector<16xf32>
        %mul3A_466 = arith.mulf %broadcast_in_dim3A_227, %get3A_465 : vector<16xf32>
        %add3A_467 = arith.addf %add3A_456, %mul3A_466 : vector<16xf32>
        %mul3A_468 = arith.mulf %broadcast_in_dim3A_275, %get3A_465 : vector<16xf32>
        %add3A_469 = arith.addf %add3A_458, %mul3A_468 : vector<16xf32>
        %mul3A_470 = arith.constant 16 : i32
        %mul3A_471 = arith.muli %scan3A_429, %mul3A_470 : i32
        %get3A_472 = arith.constant 3 : i32
        %get3A_473 = arith.index_cast %get3A_472 : i32 to index
        %get3A_474 = arith.index_cast %mul3A_471 : i32 to index
        %get3A_475 = tpu.vector_load %arg5[%get3A_473, %get3A_474] {strides = array<i32>} : memref<16x1024xf32, #tpu.memory_space<vmem>>, vector<1x16xf32>,
        %get3A_476 = vector.shape_cast %get3A_475 : vector<1x16xf32> to vector<16xf32>
        %mul3A_477 = arith.mulf %broadcast_in_dim3A_230, %get3A_476 : vector<16xf32>
        %add3A_478 = arith.addf %add3A_467, %mul3A_477 : vector<16xf32>
        %mul3A_479 = arith.mulf %broadcast_in_dim3A_278, %get3A_476 : vector<16xf32>
        %add3A_480 = arith.addf %add3A_469, %mul3A_479 : vector<16xf32>
        %mul3A_481 = arith.constant 16 : i32
        %mul3A_482 = arith.muli %scan3A_429, %mul3A_481 : i32
        %get3A_483 = arith.constant 4 : i32
        %get3A_484 = arith.index_cast %get3A_483 : i32 to index
        %get3A_485 = arith.index_cast %mul3A_482 : i32 to index
        %get3A_486 = tpu.vector_load %arg5[%get3A_484, %get3A_485] {strides = array<i32>} : memref<16x1024xf32, #tpu.memory_space<vmem>>, vector<1x16xf32>,
        %get3A_487 = vector.shape_cast %get3A_486 : vector<1x16xf32> to vector<16xf32>
        %mul3A_488 = arith.mulf %broadcast_in_dim3A_233, %get3A_487 : vector<16xf32>
        %add3A_489 = arith.addf %add3A_478, %mul3A_488 : vector<16xf32>
        %mul3A_490 = arith.mulf %broadcast_in_dim3A_281, %get3A_487 : vector<16xf32>
        %add3A_491 = arith.addf %add3A_480, %mul3A_490 : vector<16xf32>
        %mul3A_492 = arith.constant 16 : i32
        %mul3A_493 = arith.muli %scan3A_429, %mul3A_492 : i32
        %get3A_494 = arith.constant 5 : i32
        %get3A_495 = arith.index_cast %get3A_494 : i32 to index
        %get3A_496 = arith.index_cast %mul3A_493 : i32 to index
        %get3A_497 = tpu.vector_load %arg5[%get3A_495, %get3A_496] {strides = array<i32>} : memref<16x1024xf32, #tpu.memory_space<vmem>>, vector<1x16xf32>,
        %get3A_498 = vector.shape_cast %get3A_497 : vector<1x16xf32> to vector<16xf32>
        %mul3A_499 = arith.mulf %broadcast_in_dim3A_236, %get3A_498 : vector<16xf32>
        %add3A_500 = arith.addf %add3A_489, %mul3A_499 : vector<16xf32>
        %mul3A_501 = arith.mulf %broadcast_in_dim3A_284, %get3A_498 : vector<16xf32>
        %add3A_502 = arith.addf %add3A_491, %mul3A_501 : vector<16xf32>
        %mul3A_503 = arith.constant 16 : i32
        %mul3A_504 = arith.muli %scan3A_429, %mul3A_503 : i32
        %get3A_505 = arith.constant 6 : i32
        %get3A_506 = arith.index_cast %get3A_505 : i32 to index
        %get3A_507 = arith.index_cast %mul3A_504 : i32 to index
        %get3A_508 = tpu.vector_load %arg5[%get3A_506, %get3A_507] {strides = array<i32>} : memref<16x1024xf32, #tpu.memory_space<vmem>>, vector<1x16xf32>,
        %get3A_509 = vector.shape_cast %get3A_508 : vector<1x16xf32> to vector<16xf32>
        %mul3A_510 = arith.mulf %broadcast_in_dim3A_239, %get3A_509 : vector<16xf32>
        %add3A_511 = arith.addf %add3A_500, %mul3A_510 : vector<16xf32>
        %mul3A_512 = arith.mulf %broadcast_in_dim3A_287, %get3A_509 : vector<16xf32>
        %add3A_513 = arith.addf %add3A_502, %mul3A_512 : vector<16xf32>
        %mul3A_514 = arith.constant 16 : i32
        %mul3A_515 = arith.muli %scan3A_429, %mul3A_514 : i32
        %get3A_516 = arith.constant 7 : i32
        %get3A_517 = arith.index_cast %get3A_516 : i32 to index
        %get3A_518 = arith.index_cast %mul3A_515 : i32 to index
        %get3A_519 = tpu.vector_load %arg5[%get3A_517, %get3A_518] {strides = array<i32>} : memref<16x1024xf32, #tpu.memory_space<vmem>>, vector<1x16xf32>,
        %get3A_520 = vector.shape_cast %get3A_519 : vector<1x16xf32> to vector<16xf32>
        %mul3A_521 = arith.mulf %broadcast_in_dim3A_242, %get3A_520 : vector<16xf32>
        %add3A_522 = arith.addf %add3A_511, %mul3A_521 : vector<16xf32>
        %mul3A_523 = arith.mulf %broadcast_in_dim3A_290, %get3A_520 : vector<16xf32>
        %add3A_524 = arith.addf %add3A_513, %mul3A_523 : vector<16xf32>
        %mul3A_525 = arith.constant 16 : i32
        %mul3A_526 = arith.muli %scan3A_429, %mul3A_525 : i32
        %get3A_527 = arith.constant 8 : i32
        %get3A_528 = arith.index_cast %get3A_527 : i32 to index
        %get3A_529 = arith.index_cast %mul3A_526 : i32 to index
        %get3A_530 = tpu.vector_load %arg5[%get3A_528, %get3A_529] {strides = array<i32>} : memref<16x1024xf32, #tpu.memory_space<vmem>>, vector<1x16xf32>,
        %get3A_531 = vector.shape_cast %get3A_530 : vector<1x16xf32> to vector<16xf32>
        %mul3A_532 = arith.mulf %broadcast_in_dim3A_245, %get3A_531 : vector<16xf32>
        %add3A_533 = arith.addf %add3A_522, %mul3A_532 : vector<16xf32>
        %mul3A_534 = arith.mulf %broadcast_in_dim3A_293, %get3A_531 : vector<16xf32>
        %add3A_535 = arith.addf %add3A_524, %mul3A_534 : vector<16xf32>
        %mul3A_536 = arith.constant 16 : i32
        %mul3A_537 = arith.muli %scan3A_429, %mul3A_536 : i32
        %get3A_538 = arith.constant 9 : i32
        %get3A_539 = arith.index_cast %get3A_538 : i32 to index
        %get3A_540 = arith.index_cast %mul3A_537 : i32 to index
        %get3A_541 = tpu.vector_load %arg5[%get3A_539, %get3A_540] {strides = array<i32>} : memref<16x1024xf32, #tpu.memory_space<vmem>>, vector<1x16xf32>,
        %get3A_542 = vector.shape_cast %get3A_541 : vector<1x16xf32> to vector<16xf32>
        %mul3A_543 = arith.mulf %broadcast_in_dim3A_248, %get3A_542 : vector<16xf32>
        %add3A_544 = arith.addf %add3A_533, %mul3A_543 : vector<16xf32>
        %mul3A_545 = arith.mulf %broadcast_in_dim3A_296, %get3A_542 : vector<16xf32>
        %add3A_546 = arith.addf %add3A_535, %mul3A_545 : vector<16xf32>
        %mul3A_547 = arith.constant 16 : i32
        %mul3A_548 = arith.muli %scan3A_429, %mul3A_547 : i32
        %get3A_549 = arith.constant 10 : i32
        %get3A_550 = arith.index_cast %get3A_549 : i32 to index
        %get3A_551 = arith.index_cast %mul3A_548 : i32 to index
        %get3A_552 = tpu.vector_load %arg5[%get3A_550, %get3A_551] {strides = array<i32>} : memref<16x1024xf32, #tpu.memory_space<vmem>>, vector<1x16xf32>,
        %get3A_553 = vector.shape_cast %get3A_552 : vector<1x16xf32> to vector<16xf32>
        %mul3A_554 = arith.mulf %broadcast_in_dim3A_251, %get3A_553 : vector<16xf32>
        %add3A_555 = arith.addf %add3A_544, %mul3A_554 : vector<16xf32>
        %mul3A_556 = arith.mulf %broadcast_in_dim3A_299, %get3A_553 : vector<16xf32>
        %add3A_557 = arith.addf %add3A_546, %mul3A_556 : vector<16xf32>
        %mul3A_558 = arith.constant 16 : i32
        %mul3A_559 = arith.muli %scan3A_429, %mul3A_558 : i32
        %get3A_560 = arith.constant 11 : i32
        %get3A_561 = arith.index_cast %get3A_560 : i32 to index
        %get3A_562 = arith.index_cast %mul3A_559 : i32 to index
        %get3A_563 = tpu.vector_load %arg5[%get3A_561, %get3A_562] {strides = array<i32>} : memref<16x1024xf32, #tpu.memory_space<vmem>>, vector<1x16xf32>,
        %get3A_564 = vector.shape_cast %get3A_563 : vector<1x16xf32> to vector<16xf32>
        %mul3A_565 = arith.mulf %broadcast_in_dim3A_254, %get3A_564 : vector<16xf32>
        %add3A_566 = arith.addf %add3A_555, %mul3A_565 : vector<16xf32>
        %mul3A_567 = arith.mulf %broadcast_in_dim3A_302, %get3A_564 : vector<16xf32>
        %add3A_568 = arith.addf %add3A_557, %mul3A_567 : vector<16xf32>
        %mul3A_569 = arith.constant 16 : i32
        %mul3A_570 = arith.muli %scan3A_429, %mul3A_569 : i32
        %get3A_571 = arith.constant 12 : i32
        %get3A_572 = arith.index_cast %get3A_571 : i32 to index
        %get3A_573 = arith.index_cast %mul3A_570 : i32 to index
        %get3A_574 = tpu.vector_load %arg5[%get3A_572, %get3A_573] {strides = array<i32>} : memref<16x1024xf32, #tpu.memory_space<vmem>>, vector<1x16xf32>,
        %get3A_575 = vector.shape_cast %get3A_574 : vector<1x16xf32> to vector<16xf32>
        %mul3A_576 = arith.mulf %broadcast_in_dim3A_257, %get3A_575 : vector<16xf32>
        %add3A_577 = arith.addf %add3A_566, %mul3A_576 : vector<16xf32>
        %mul3A_578 = arith.mulf %broadcast_in_dim3A_305, %get3A_575 : vector<16xf32>
        %add3A_579 = arith.addf %add3A_568, %mul3A_578 : vector<16xf32>
        %mul3A_580 = arith.constant 16 : i32
        %mul3A_581 = arith.muli %scan3A_429, %mul3A_580 : i32
        %get3A_582 = arith.constant 13 : i32
        %get3A_583 = arith.index_cast %get3A_582 : i32 to index
        %get3A_584 = arith.index_cast %mul3A_581 : i32 to index
        %get3A_585 = tpu.vector_load %arg5[%get3A_583, %get3A_584] {strides = array<i32>} : memref<16x1024xf32, #tpu.memory_space<vmem>>, vector<1x16xf32>,
        %get3A_586 = vector.shape_cast %get3A_585 : vector<1x16xf32> to vector<16xf32>
        %mul3A_587 = arith.mulf %broadcast_in_dim3A_260, %get3A_586 : vector<16xf32>
        %add3A_588 = arith.addf %add3A_577, %mul3A_587 : vector<16xf32>
        %mul3A_589 = arith.mulf %broadcast_in_dim3A_308, %get3A_586 : vector<16xf32>
        %add3A_590 = arith.addf %add3A_579, %mul3A_589 : vector<16xf32>
        %mul3A_591 = arith.constant 16 : i32
        %mul3A_592 = arith.muli %scan3A_429, %mul3A_591 : i32
        %get3A_593 = arith.constant 14 : i32
        %get3A_594 = arith.index_cast %get3A_593 : i32 to index
        %get3A_595 = arith.index_cast %mul3A_592 : i32 to index
        %get3A_596 = tpu.vector_load %arg5[%get3A_594, %get3A_595] {strides = array<i32>} : memref<16x1024xf32, #tpu.memory_space<vmem>>, vector<1x16xf32>,
        %get3A_597 = vector.shape_cast %get3A_596 : vector<1x16xf32> to vector<16xf32>
        %mul3A_598 = arith.mulf %broadcast_in_dim3A_263, %get3A_597 : vector<16xf32>
        %add3A_599 = arith.addf %add3A_588, %mul3A_598 : vector<16xf32>
        %mul3A_600 = arith.mulf %broadcast_in_dim3A_311, %get3A_597 : vector<16xf32>
        %add3A_601 = arith.addf %add3A_590, %mul3A_600 : vector<16xf32>
        %mul3A_602 = arith.constant 16 : i32
        %mul3A_603 = arith.muli %scan3A_429, %mul3A_602 : i32
        %get3A_604 = arith.constant 15 : i32
        %get3A_605 = arith.index_cast %get3A_604 : i32 to index
        %get3A_606 = arith.index_cast %mul3A_603 : i32 to index
        %get3A_607 = tpu.vector_load %arg5[%get3A_605, %get3A_606] {strides = array<i32>} : memref<16x1024xf32, #tpu.memory_space<vmem>>, vector<1x16xf32>,
        %get3A_608 = vector.shape_cast %get3A_607 : vector<1x16xf32> to vector<16xf32>
        %mul3A_609 = arith.mulf %broadcast_in_dim3A_266, %get3A_608 : vector<16xf32>
        %add3A_610 = arith.addf %add3A_599, %mul3A_609 : vector<16xf32>
        %mul3A_611 = arith.mulf %broadcast_in_dim3A_314, %get3A_608 : vector<16xf32>
        %add3A_612 = arith.addf %add3A_601, %mul3A_611 : vector<16xf32>
        %min3A_613 = arith.minimumf %scan3A_430, %add3A_610 : vector<16xf32>
        %min3A_614 = arith.minimumf %scan3A_431, %add3A_612 : vector<16xf32>
        scf.yield %min3A_613, %min3A_614 : vector<16xf32>, vector<16xf32>
      }
      %scan3A_320 = arith.constant 64 : i32
      %slice3A_321 = vector.extract_strided_slice %scan3A_319#0 {offsets = [0], sizes = [1], strides = [1]} : vector<16xf32> to vector<1xf32>
      %squeeze3A_322 = vector.extract %slice3A_321[0] : f32 from vector<1xf32>
      %slice3A_323 = vector.extract_strided_slice %scan3A_319#1 {offsets = [0], sizes = [1], strides = [1]} : vector<16xf32> to vector<1xf32>
      %squeeze3A_324 = vector.extract %slice3A_323[0] : f32 from vector<1xf32>
      %slice3A_325 = vector.extract_strided_slice %scan3A_319#0 {offsets = [1], sizes = [1], strides = [1]} : vector<16xf32> to vector<1xf32>
      %squeeze3A_326 = vector.extract %slice3A_325[0] : f32 from vector<1xf32>
      %min3A_327 = arith.minimumf %squeeze3A_322, %squeeze3A_326 : f32
      %slice3A_328 = vector.extract_strided_slice %scan3A_319#1 {offsets = [1], sizes = [1], strides = [1]} : vector<16xf32> to vector<1xf32>
      %squeeze3A_329 = vector.extract %slice3A_328[0] : f32 from vector<1xf32>
      %min3A_330 = arith.minimumf %squeeze3A_324, %squeeze3A_329 : f32
      %slice3A_331 = vector.extract_strided_slice %scan3A_319#0 {offsets = [2], sizes = [1], strides = [1]} : vector<16xf32> to vector<1xf32>
      %squeeze3A_332 = vector.extract %slice3A_331[0] : f32 from vector<1xf32>
      %min3A_333 = arith.minimumf %min3A_327, %squeeze3A_332 : f32
      %slice3A_334 = vector.extract_strided_slice %scan3A_319#1 {offsets = [2], sizes = [1], strides = [1]} : vector<16xf32> to vector<1xf32>
      %squeeze3A_335 = vector.extract %slice3A_334[0] : f32 from vector<1xf32>
      %min3A_336 = arith.minimumf %min3A_330, %squeeze3A_335 : f32
      %slice3A_337 = vector.extract_strided_slice %scan3A_319#0 {offsets = [3], sizes = [1], strides = [1]} : vector<16xf32> to vector<1xf32>
      %squeeze3A_338 = vector.extract %slice3A_337[0] : f32 from vector<1xf32>
      %min3A_339 = arith.minimumf %min3A_333, %squeeze3A_338 : f32
      %slice3A_340 = vector.extract_strided_slice %scan3A_319#1 {offsets = [3], sizes = [1], strides = [1]} : vector<16xf32> to vector<1xf32>
      %squeeze3A_341 = vector.extract %slice3A_340[0] : f32 from vector<1xf32>
      %min3A_342 = arith.minimumf %min3A_336, %squeeze3A_341 : f32
      %slice3A_343 = vector.extract_strided_slice %scan3A_319#0 {offsets = [4], sizes = [1], strides = [1]} : vector<16xf32> to vector<1xf32>
      %squeeze3A_344 = vector.extract %slice3A_343[0] : f32 from vector<1xf32>
      %min3A_345 = arith.minimumf %min3A_339, %squeeze3A_344 : f32
      %slice3A_346 = vector.extract_strided_slice %scan3A_319#1 {offsets = [4], sizes = [1], strides = [1]} : vector<16xf32> to vector<1xf32>
      %squeeze3A_347 = vector.extract %slice3A_346[0] : f32 from vector<1xf32>
      %min3A_348 = arith.minimumf %min3A_342, %squeeze3A_347 : f32
      %slice3A_349 = vector.extract_strided_slice %scan3A_319#0 {offsets = [5], sizes = [1], strides = [1]} : vector<16xf32> to vector<1xf32>
      %squeeze3A_350 = vector.extract %slice3A_349[0] : f32 from vector<1xf32>
      %min3A_351 = arith.minimumf %min3A_345, %squeeze3A_350 : f32
      %slice3A_352 = vector.extract_strided_slice %scan3A_319#1 {offsets = [5], sizes = [1], strides = [1]} : vector<16xf32> to vector<1xf32>
      %squeeze3A_353 = vector.extract %slice3A_352[0] : f32 from vector<1xf32>
      %min3A_354 = arith.minimumf %min3A_348, %squeeze3A_353 : f32
      %slice3A_355 = vector.extract_strided_slice %scan3A_319#0 {offsets = [6], sizes = [1], strides = [1]} : vector<16xf32> to vector<1xf32>
      %squeeze3A_356 = vector.extract %slice3A_355[0] : f32 from vector<1xf32>
      %min3A_357 = arith.minimumf %min3A_351, %squeeze3A_356 : f32
      %slice3A_358 = vector.extract_strided_slice %scan3A_319#1 {offsets = [6], sizes = [1], strides = [1]} : vector<16xf32> to vector<1xf32>
      %squeeze3A_359 = vector.extract %slice3A_358[0] : f32 from vector<1xf32>
      %min3A_360 = arith.minimumf %min3A_354, %squeeze3A_359 : f32
      %slice3A_361 = vector.extract_strided_slice %scan3A_319#0 {offsets = [7], sizes = [1], strides = [1]} : vector<16xf32> to vector<1xf32>
      %squeeze3A_362 = vector.extract %slice3A_361[0] : f32 from vector<1xf32>
      %min3A_363 = arith.minimumf %min3A_357, %squeeze3A_362 : f32
      %slice3A_364 = vector.extract_strided_slice %scan3A_319#1 {offsets = [7], sizes = [1], strides = [1]} : vector<16xf32> to vector<1xf32>
      %squeeze3A_365 = vector.extract %slice3A_364[0] : f32 from vector<1xf32>
      %min3A_366 = arith.minimumf %min3A_360, %squeeze3A_365 : f32
      %slice3A_367 = vector.extract_strided_slice %scan3A_319#0 {offsets = [8], sizes = [1], strides = [1]} : vector<16xf32> to vector<1xf32>
      %squeeze3A_368 = vector.extract %slice3A_367[0] : f32 from vector<1xf32>
      %min3A_369 = arith.minimumf %min3A_363, %squeeze3A_368 : f32
      %slice3A_370 = vector.extract_strided_slice %scan3A_319#1 {offsets = [8], sizes = [1], strides = [1]} : vector<16xf32> to vector<1xf32>
      %squeeze3A_371 = vector.extract %slice3A_370[0] : f32 from vector<1xf32>
      %min3A_372 = arith.minimumf %min3A_366, %squeeze3A_371 : f32
      %slice3A_373 = vector.extract_strided_slice %scan3A_319#0 {offsets = [9], sizes = [1], strides = [1]} : vector<16xf32> to vector<1xf32>
      %squeeze3A_374 = vector.extract %slice3A_373[0] : f32 from vector<1xf32>
      %min3A_375 = arith.minimumf %min3A_369, %squeeze3A_374 : f32
      %slice3A_376 = vector.extract_strided_slice %scan3A_319#1 {offsets = [9], sizes = [1], strides = [1]} : vector<16xf32> to vector<1xf32>
      %squeeze3A_377 = vector.extract %slice3A_376[0] : f32 from vector<1xf32>
      %min3A_378 = arith.minimumf %min3A_372, %squeeze3A_377 : f32
      %slice3A_379 = vector.extract_strided_slice %scan3A_319#0 {offsets = [10], sizes = [1], strides = [1]} : vector<16xf32> to vector<1xf32>
      %squeeze3A_380 = vector.extract %slice3A_379[0] : f32 from vector<1xf32>
      %min3A_381 = arith.minimumf %min3A_375, %squeeze3A_380 : f32
      %slice3A_382 = vector.extract_strided_slice %scan3A_319#1 {offsets = [10], sizes = [1], strides = [1]} : vector<16xf32> to vector<1xf32>
      %squeeze3A_383 = vector.extract %slice3A_382[0] : f32 from vector<1xf32>
      %min3A_384 = arith.minimumf %min3A_378, %squeeze3A_383 : f32
      %slice3A_385 = vector.extract_strided_slice %scan3A_319#0 {offsets = [11], sizes = [1], strides = [1]} : vector<16xf32> to vector<1xf32>
      %squeeze3A_386 = vector.extract %slice3A_385[0] : f32 from vector<1xf32>
      %min3A_387 = arith.minimumf %min3A_381, %squeeze3A_386 : f32
      %slice3A_388 = vector.extract_strided_slice %scan3A_319#1 {offsets = [11], sizes = [1], strides = [1]} : vector<16xf32> to vector<1xf32>
      %squeeze3A_389 = vector.extract %slice3A_388[0] : f32 from vector<1xf32>
      %min3A_390 = arith.minimumf %min3A_384, %squeeze3A_389 : f32
      %slice3A_391 = vector.extract_strided_slice %scan3A_319#0 {offsets = [12], sizes = [1], strides = [1]} : vector<16xf32> to vector<1xf32>
      %squeeze3A_392 = vector.extract %slice3A_391[0] : f32 from vector<1xf32>
      %min3A_393 = arith.minimumf %min3A_387, %squeeze3A_392 : f32
      %slice3A_394 = vector.extract_strided_slice %scan3A_319#1 {offsets = [12], sizes = [1], strides = [1]} : vector<16xf32> to vector<1xf32>
      %squeeze3A_395 = vector.extract %slice3A_394[0] : f32 from vector<1xf32>
      %min3A_396 = arith.minimumf %min3A_390, %squeeze3A_395 : f32
      %slice3A_397 = vector.extract_strided_slice %scan3A_319#0 {offsets = [13], sizes = [1], strides = [1]} : vector<16xf32> to vector<1xf32>
      %squeeze3A_398 = vector.extract %slice3A_397[0] : f32 from vector<1xf32>
      %min3A_399 = arith.minimumf %min3A_393, %squeeze3A_398 : f32
      %slice3A_400 = vector.extract_strided_slice %scan3A_319#1 {offsets = [13], sizes = [1], strides = [1]} : vector<16xf32> to vector<1xf32>
      %squeeze3A_401 = vector.extract %slice3A_400[0] : f32 from vector<1xf32>
      %min3A_402 = arith.minimumf %min3A_396, %squeeze3A_401 : f32
      %slice3A_403 = vector.extract_strided_slice %scan3A_319#0 {offsets = [14], sizes = [1], strides = [1]} : vector<16xf32> to vector<1xf32>
      %squeeze3A_404 = vector.extract %slice3A_403[0] : f32 from vector<1xf32>
      %min3A_405 = arith.minimumf %min3A_399, %squeeze3A_404 : f32
      %slice3A_406 = vector.extract_strided_slice %scan3A_319#1 {offsets = [14], sizes = [1], strides = [1]} : vector<16xf32> to vector<1xf32>
      %squeeze3A_407 = vector.extract %slice3A_406[0] : f32 from vector<1xf32>
      %min3A_408 = arith.minimumf %min3A_402, %squeeze3A_407 : f32
      %slice3A_409 = vector.extract_strided_slice %scan3A_319#0 {offsets = [15], sizes = [1], strides = [1]} : vector<16xf32> to vector<1xf32>
      %squeeze3A_410 = vector.extract %slice3A_409[0] : f32 from vector<1xf32>
      %min3A_411 = arith.minimumf %min3A_405, %squeeze3A_410 : f32
      %slice3A_412 = vector.extract_strided_slice %scan3A_319#1 {offsets = [15], sizes = [1], strides = [1]} : vector<16xf32> to vector<1xf32>
      %squeeze3A_413 = vector.extract %slice3A_412[0] : f32 from vector<1xf32>
      %min3A_414 = arith.minimumf %min3A_408, %squeeze3A_413 : f32
      %add3A_415 = arith.addf %min3A_411, %add3A_216 : f32
      %add3A_416 = arith.addf %min3A_414, %add3A_218 : f32
      %mul3A_417 = arith.constant 2 : i32
      %mul3A_418 = arith.muli %mul3A_417, %scan3A_79 : i32
      %eq3A = vector.broadcast %mul3A_418 : i32 to vector<16xi32>
      %eq3A_419 = arith.cmpi eq, %iota3A, %eq3A : vector<16xi32>
      %broadcast_in_dim3A_420 = vector.broadcast %add3A_415 : f32 to vector<16xf32>
      %select_n3A = arith.select %eq3A_419, %broadcast_in_dim3A_420, %scan3A_80 : vector<16xi1>, vector<16xf32>
      %mul3A_421 = arith.constant 2 : i32
      %mul3A_422 = arith.muli %mul3A_421, %scan3A_79 : i32
      %add3A_423 = arith.constant 1 : i32
      %add3A_424 = arith.addi %mul3A_422, %add3A_423 : i32
      %eq3A_425 = vector.broadcast %add3A_424 : i32 to vector<16xi32>
      %eq3A_426 = arith.cmpi eq, %iota3A, %eq3A_425 : vector<16xi32>
      %broadcast_in_dim3A_427 = vector.broadcast %add3A_416 : f32 to vector<16xf32>
      %select_n3A_428 = arith.select %eq3A_426, %broadcast_in_dim3A_427, %select_n3A : vector<16xi1>, vector<16xf32>
      scf.yield %select_n3A_428 : vector<16xf32>
    }
    %scan3A_19 = arith.constant 8 : i32
    %max3A = arith.constant 0.000000e+00 : f32
    %max3A_20 = vector.broadcast %max3A : f32 to vector<16xf32>
    %max3A_21 = arith.maximumf %scan3A_18, %max3A_20 : vector<16xf32>
    %max3A_22 = arith.constant 9.99999996E-13 : f32
    %max3A_23 = vector.broadcast %max3A_22 : f32 to vector<16xf32>
    %max3A_24 = arith.maximumf %max3A_21, %max3A_23 : vector<16xf32>
    %add3A_25 = arith.constant 1.000000e+00 : f32
    %add3A_26 = vector.broadcast %add3A_25 : f32 to vector<16xf32>
    %add3A_27 = arith.addf %add3A_26, %max3A_24 : vector<16xf32>
    %mul3A_28 = arith.constant 5.000000e-01 : f32
    %mul3A_29 = vector.broadcast %mul3A_28 : f32 to vector<16xf32>
    %mul3A_30 = arith.mulf %mul3A_29, %add3A_27 : vector<16xf32>
    %div3A = arith.divf %max3A_24, %mul3A_30 : vector<16xf32>
    %add3A_31 = arith.addf %mul3A_30, %div3A : vector<16xf32>
    %mul3A_32 = arith.constant 5.000000e-01 : f32
    %mul3A_33 = vector.broadcast %mul3A_32 : f32 to vector<16xf32>
    %mul3A_34 = arith.mulf %mul3A_33, %add3A_31 : vector<16xf32>
    %div3A_35 = arith.divf %max3A_24, %mul3A_34 : vector<16xf32>
    %add3A_36 = arith.addf %mul3A_34, %div3A_35 : vector<16xf32>
    %mul3A_37 = arith.constant 5.000000e-01 : f32
    %mul3A_38 = vector.broadcast %mul3A_37 : f32 to vector<16xf32>
    %mul3A_39 = arith.mulf %mul3A_38, %add3A_36 : vector<16xf32>
    %div3A_40 = arith.divf %max3A_24, %mul3A_39 : vector<16xf32>
    %add3A_41 = arith.addf %mul3A_39, %div3A_40 : vector<16xf32>
    %mul3A_42 = arith.constant 5.000000e-01 : f32
    %mul3A_43 = vector.broadcast %mul3A_42 : f32 to vector<16xf32>
    %mul3A_44 = arith.mulf %mul3A_43, %add3A_41 : vector<16xf32>
    %div3A_45 = arith.divf %max3A_24, %mul3A_44 : vector<16xf32>
    %add3A_46 = arith.addf %mul3A_44, %div3A_45 : vector<16xf32>
    %mul3A_47 = arith.constant 5.000000e-01 : f32
    %mul3A_48 = vector.broadcast %mul3A_47 : f32 to vector<16xf32>
    %mul3A_49 = arith.mulf %mul3A_48, %add3A_46 : vector<16xf32>
    %div3A_50 = arith.divf %max3A_24, %mul3A_49 : vector<16xf32>
    %add3A_51 = arith.addf %mul3A_49, %div3A_50 : vector<16xf32>
    %mul3A_52 = arith.constant 5.000000e-01 : f32
    %mul3A_53 = vector.broadcast %mul3A_52 : f32 to vector<16xf32>
    %mul3A_54 = arith.mulf %mul3A_53, %add3A_51 : vector<16xf32>
    %div3A_55 = arith.divf %max3A_24, %mul3A_54 : vector<16xf32>
    %add3A_56 = arith.addf %mul3A_54, %div3A_55 : vector<16xf32>
    %mul3A_57 = arith.constant 5.000000e-01 : f32
    %mul3A_58 = vector.broadcast %mul3A_57 : f32 to vector<16xf32>
    %mul3A_59 = arith.mulf %mul3A_58, %add3A_56 : vector<16xf32>
    %div3A_60 = arith.divf %max3A_24, %mul3A_59 : vector<16xf32>
    %add3A_61 = arith.addf %mul3A_59, %div3A_60 : vector<16xf32>
    %mul3A_62 = arith.constant 5.000000e-01 : f32
    %mul3A_63 = vector.broadcast %mul3A_62 : f32 to vector<16xf32>
    %mul3A_64 = arith.mulf %mul3A_63, %add3A_61 : vector<16xf32>
    %div3A_65 = arith.divf %max3A_24, %mul3A_64 : vector<16xf32>
    %add3A_66 = arith.addf %mul3A_64, %div3A_65 : vector<16xf32>
    %mul3A_67 = arith.constant 5.000000e-01 : f32
    %mul3A_68 = vector.broadcast %mul3A_67 : f32 to vector<16xf32>
    %mul3A_69 = arith.mulf %mul3A_68, %add3A_66 : vector<16xf32>
    %min3A = arith.constant 1.000000e+06 : f32
    %min3A_70 = vector.broadcast %min3A : f32 to vector<16xf32>
    %min3A_71 = arith.minimumf %mul3A_69, %min3A_70 : vector<16xf32>
    %add3A_72 = arith.addf %broadcast_in_dim3A_10, %min3A_71 : vector<16xf32>
    %scan3A_73 = arith.constant 1 : i32
    %swap3A = arith.constant 0 : i32
    %swap3A_74 = arith.index_cast %swap3A : i32 to index
    %swap3A_75 = arith.constant 0 : index
    %swap3A_76 = tpu.vector_load %arg8[%swap3A_74, %swap3A_75] {strides = array<i32>} : memref<1x16xf32, #tpu.memory_space<vmem>>, vector<1x16xf32>,
    %swap3A_77 = vector.shape_cast %swap3A_76 : vector<1x16xf32> to vector<16xf32>
    %swap3A_78 = vector.shape_cast %add3A_72 : vector<16xf32> to vector<1x16xf32>
    tpu.vector_store %arg8[%swap3A_74, %swap3A_75], %swap3A_78 {strides = array<i32>} : memref<1x16xf32, #tpu.memory_space<vmem>>, vector<1x16xf32>,
    "tpu.region"() ({
      %run_scoped3A = tpu.sem_alloc : memref<!tpu.dma_semaphore, #tpu.memory_space<semaphore_mem>>
      %dma_start3A = arith.constant 0 : i32
      %dma_start3A_79 = tpu.memref_slice %arg4[%add3A, %dma_start3A] : memref<32x16xf32, #tpu.memory_space<hbm>> -> memref<1x16xf32, #tpu.memory_space<hbm>>
      %dma_start3A_80 = arith.constant 0 : i32
      %dma_start3A_81 = tpu.memref_slice %arg4[%add3A, %dma_start3A_80] : memref<32x16xf32, #tpu.memory_space<hbm>> -> memref<1x16xf32, #tpu.memory_space<hbm>>
      tpu.enqueue_dma source(%arg8 : memref<1x16xf32, #tpu.memory_space<vmem>>) target(%dma_start3A_81 : memref<1x16xf32, #tpu.memory_space<hbm>>) target_semaphore(%run_scoped3A : memref<!tpu.dma_semaphore, #tpu.memory_space<semaphore_mem>>)
      %dma_wait3A = arith.constant 0 : i32
      %dma_wait3A_82 = tpu.memref_slice %arg4[%add3A, %dma_wait3A] : memref<32x16xf32, #tpu.memory_space<hbm>> -> memref<1x16xf32, #tpu.memory_space<hbm>>
      %dma_wait3A_83 = arith.constant 0 : i32
      %dma_wait3A_84 = tpu.memref_slice %arg4[%add3A, %dma_wait3A_83] : memref<32x16xf32, #tpu.memory_space<hbm>> -> memref<1x16xf32, #tpu.memory_space<hbm>>
      tpu.wait_dma2 semaphore(%run_scoped3A : memref<!tpu.dma_semaphore, #tpu.memory_space<semaphore_mem>>) src(%arg8 : memref<1x16xf32, #tpu.memory_space<vmem>>) dst(%dma_wait3A_84 : memref<1x16xf32, #tpu.memory_space<hbm>>)
      tpu.yield
    }) : () -> ()
    return
  }
}

module attributes {stable_mosaic.version = 14 : i64} {
  func.func @_tc_body(%arg0: i32, %arg1: memref<16x15872xf32, #tpu.memory_space<vmem>>, %arg2: memref<1024x16xf32, #tpu.memory_space<vmem>>, %arg3: memref<1x1xf32, #tpu.memory_space<smem>>, %arg4: memref<1024x18xbf16, #tpu.memory_space<vmem>>) attributes {dimension_semantics = [#tpu.dimension_semantics<arbitrary>], iteration_bounds = array<i64: 1>, scalar_prefetch = 0 : i64, scratch_operands = 1 : i64, tpu.core_type = #tpu.core_type<tc>, window_params = [{transform_indices = @transform_0, window_bounds = array<i64: 16, 15872>}, {pipeline_mode = #tpu.pipeline_mode<synchronous>, transform_indices = @transform_1, window_bounds = array<i64: 1024, 16>}, {transform_indices = @transform_2, window_bounds = array<i64: 1, 1>}]} {
    %eq3A = arith.constant 0 : i32
    %eq3A_0 = arith.cmpi eq, %arg0, %eq3A : i32
    %convert_element_type3A = arith.extui %eq3A_0 : i1 to i32
    %cond3A = arith.constant 0 : i32
    %cond3A_1 = arith.cmpi ne, %convert_element_type3A, %cond3A : i32
    scf.if %cond3A_1 {
      %get3A_57 = arith.constant 0 : index
      %get3A_58 = arith.constant 0 : index
      %get3A_59 = vector.load %arg2[%get3A_57, %get3A_58] : memref<1024x16xf32, #tpu.memory_space<vmem>>, vector<1024x16xf32>
      %mul3A_60 = arith.mulf %get3A_59, %get3A_59 : vector<1024x16xf32>
      %reduce_sum3A_61 = arith.constant dense<0.000000e+00> : vector<1024xf32>
      %reduce_sum3A_62 = vector.multi_reduction <add>, %mul3A_60, %reduce_sum3A_61 [1] : vector<1024x16xf32> to vector<1024xf32>
      %broadcast_in_dim3A_63 = vector.shape_cast %reduce_sum3A_62 : vector<1024xf32> to vector<1024x1xf32>
      %convert_element_type3A_64 = arith.truncf %broadcast_in_dim3A_63 : vector<1024x1xf32> to vector<1024x1xbf16>
      %convert_element_type3A_65 = arith.extf %convert_element_type3A_64 : vector<1024x1xbf16> to vector<1024x1xf32>
      %sub3A = arith.subf %broadcast_in_dim3A_63, %convert_element_type3A_65 : vector<1024x1xf32>
      %convert_element_type3A_66 = arith.truncf %sub3A : vector<1024x1xf32> to vector<1024x1xbf16>
      %mul3A_67 = arith.constant -2.000000e+00 : f32
      %mul3A_68 = vector.broadcast %mul3A_67 : f32 to vector<1024x16xf32>
      %mul3A_69 = arith.mulf %get3A_59, %mul3A_68 : vector<1024x16xf32>
      %convert_element_type3A_70 = arith.truncf %mul3A_69 : vector<1024x16xf32> to vector<1024x16xbf16>
      %concatenate3A_71 = tpu.concatenate %convert_element_type3A_70, %convert_element_type3A_64, %convert_element_type3A_66 in 1 : vector<1024x16xbf16>, vector<1024x1xbf16>, vector<1024x1xbf16> -> vector<1024x18xbf16>
      %swap3A_72 = arith.constant 0 : index
      %swap3A_73 = arith.constant 0 : index
      %swap3A_74 = vector.load %arg4[%swap3A_72, %swap3A_73] : memref<1024x18xbf16, #tpu.memory_space<vmem>>, vector<1024x18xbf16>
      tpu.vector_store %arg4[%swap3A_72, %swap3A_73], %concatenate3A_71 {strides = array<i32>} : memref<1024x18xbf16, #tpu.memory_space<vmem>>, vector<1024x18xbf16>,
      %swap3A_75 = arith.constant 0.000000e+00 : f32
      %swap3A_76 = arith.constant 0 : index
      %swap3A_77 = arith.constant 0 : index
      %swap3A_78 = memref.load %arg3[%swap3A_76, %swap3A_77] : memref<1x1xf32, #tpu.memory_space<smem>>
      memref.store %swap3A_75, %arg3[%swap3A_76, %swap3A_77] : memref<1x1xf32, #tpu.memory_space<smem>>
    } else {
    }
    %get3A = arith.constant 0 : index
    %get3A_2 = arith.constant 0 : index
    %get3A_3 = vector.load %arg1[%get3A, %get3A_2] : memref<16x15872xf32, #tpu.memory_space<vmem>>, vector<16x15872xf32>
    %mul3A = arith.mulf %get3A_3, %get3A_3 : vector<16x15872xf32>
    %reduce_sum3A = arith.constant dense<0.000000e+00> : vector<15872xf32>
    %reduce_sum3A_4 = vector.multi_reduction <add>, %mul3A, %reduce_sum3A [0] : vector<16x15872xf32> to vector<15872xf32>
    %broadcast_in_dim3A = vector.shape_cast %reduce_sum3A_4 : vector<15872xf32> to vector<1x15872xf32>
    %convert_element_type3A_5 = arith.truncf %get3A_3 : vector<16x15872xf32> to vector<16x15872xbf16>
    %broadcast_in_dim3A_6 = arith.constant 1.000000e+00 : bf16
    %broadcast_in_dim3A_7 = vector.broadcast %broadcast_in_dim3A_6 : bf16 to vector<2x15872xbf16>
    %concatenate3A = tpu.concatenate %convert_element_type3A_5, %broadcast_in_dim3A_7 in 0 : vector<16x15872xbf16>, vector<2x15872xbf16> -> vector<18x15872xbf16>
    %get3A_8 = arith.constant 0 : index
    %get3A_9 = arith.constant 0 : index
    %get3A_10 = vector.load %arg4[%get3A_8, %get3A_9] : memref<1024x18xbf16, #tpu.memory_space<vmem>>, vector<256x18xbf16>
    %dot_general3A = arith.constant dense<0.000000e+00> : vector<256x15872xf32>
    %dot_general3A_11 = tpu.matmul %get3A_10, %concatenate3A, %dot_general3A {dimension_numbers = #tpu.dot_dimension_numbers<[1], [0], [0], [1], [0, 0, 1, 1], [], []>, transpose_lhs_hint = false} : vector<256x18xbf16>, vector<18x15872xbf16>, vector<256x15872xf32> -> vector<256x15872xf32>
    %reduce_min3A = arith.constant dense<0x7F800000> : vector<15872xf32>
    %reduce_min3A_12 = vector.multi_reduction <minimumf>, %dot_general3A_11, %reduce_min3A [0] : vector<256x15872xf32> to vector<15872xf32>
    %broadcast_in_dim3A_13 = vector.shape_cast %reduce_min3A_12 : vector<15872xf32> to vector<1x15872xf32>
    %get3A_14 = arith.constant 256 : index
    %get3A_15 = arith.constant 0 : index
    %get3A_16 = vector.load %arg4[%get3A_14, %get3A_15] : memref<1024x18xbf16, #tpu.memory_space<vmem>>, vector<256x18xbf16>
    %dot_general3A_17 = arith.constant dense<0.000000e+00> : vector<256x15872xf32>
    %dot_general3A_18 = tpu.matmul %get3A_16, %concatenate3A, %dot_general3A_17 {dimension_numbers = #tpu.dot_dimension_numbers<[1], [0], [0], [1], [0, 0, 1, 1], [], []>, transpose_lhs_hint = false} : vector<256x18xbf16>, vector<18x15872xbf16>, vector<256x15872xf32> -> vector<256x15872xf32>
    %reduce_min3A_19 = arith.constant dense<0x7F800000> : vector<15872xf32>
    %reduce_min3A_20 = vector.multi_reduction <minimumf>, %dot_general3A_18, %reduce_min3A_19 [0] : vector<256x15872xf32> to vector<15872xf32>
    %broadcast_in_dim3A_21 = vector.shape_cast %reduce_min3A_20 : vector<15872xf32> to vector<1x15872xf32>
    %get3A_22 = arith.constant 512 : index
    %get3A_23 = arith.constant 0 : index
    %get3A_24 = vector.load %arg4[%get3A_22, %get3A_23] : memref<1024x18xbf16, #tpu.memory_space<vmem>>, vector<256x18xbf16>
    %dot_general3A_25 = arith.constant dense<0.000000e+00> : vector<256x15872xf32>
    %dot_general3A_26 = tpu.matmul %get3A_24, %concatenate3A, %dot_general3A_25 {dimension_numbers = #tpu.dot_dimension_numbers<[1], [0], [0], [1], [0, 0, 1, 1], [], []>, transpose_lhs_hint = false} : vector<256x18xbf16>, vector<18x15872xbf16>, vector<256x15872xf32> -> vector<256x15872xf32>
    %reduce_min3A_27 = arith.constant dense<0x7F800000> : vector<15872xf32>
    %reduce_min3A_28 = vector.multi_reduction <minimumf>, %dot_general3A_26, %reduce_min3A_27 [0] : vector<256x15872xf32> to vector<15872xf32>
    %broadcast_in_dim3A_29 = vector.shape_cast %reduce_min3A_28 : vector<15872xf32> to vector<1x15872xf32>
    %get3A_30 = arith.constant 768 : index
    %get3A_31 = arith.constant 0 : index
    %get3A_32 = vector.load %arg4[%get3A_30, %get3A_31] : memref<1024x18xbf16, #tpu.memory_space<vmem>>, vector<256x18xbf16>
    %dot_general3A_33 = arith.constant dense<0.000000e+00> : vector<256x15872xf32>
    %dot_general3A_34 = tpu.matmul %get3A_32, %concatenate3A, %dot_general3A_33 {dimension_numbers = #tpu.dot_dimension_numbers<[1], [0], [0], [1], [0, 0, 1, 1], [], []>, transpose_lhs_hint = false} : vector<256x18xbf16>, vector<18x15872xbf16>, vector<256x15872xf32> -> vector<256x15872xf32>
    %reduce_min3A_35 = arith.constant dense<0x7F800000> : vector<15872xf32>
    %reduce_min3A_36 = vector.multi_reduction <minimumf>, %dot_general3A_34, %reduce_min3A_35 [0] : vector<256x15872xf32> to vector<15872xf32>
    %broadcast_in_dim3A_37 = vector.shape_cast %reduce_min3A_36 : vector<15872xf32> to vector<1x15872xf32>
    %concatenate3A_38 = tpu.concatenate %broadcast_in_dim3A_13, %broadcast_in_dim3A_21, %broadcast_in_dim3A_29, %broadcast_in_dim3A_37 in 0 : vector<1x15872xf32>, vector<1x15872xf32>, vector<1x15872xf32>, vector<1x15872xf32> -> vector<4x15872xf32>
    %reduce_min3A_39 = arith.constant dense<0x7F800000> : vector<15872xf32>
    %reduce_min3A_40 = vector.multi_reduction <minimumf>, %concatenate3A_38, %reduce_min3A_39 [0] : vector<4x15872xf32> to vector<15872xf32>
    %broadcast_in_dim3A_41 = vector.shape_cast %reduce_min3A_40 : vector<15872xf32> to vector<1x15872xf32>
    %add3A = arith.addf %broadcast_in_dim3A_41, %broadcast_in_dim3A : vector<1x15872xf32>
    %max3A = arith.constant 0.000000e+00 : f32
    %max3A_42 = vector.broadcast %max3A : f32 to vector<1x15872xf32>
    %max3A_43 = arith.maximumf %add3A, %max3A_42 : vector<1x15872xf32>
    %sqrt3A = math.sqrt %max3A_43 : vector<1x15872xf32>
    %min3A = arith.constant 1.000000e+06 : f32
    %min3A_44 = vector.broadcast %min3A : f32 to vector<1x15872xf32>
    %min3A_45 = arith.minimumf %sqrt3A, %min3A_44 : vector<1x15872xf32>
    %get3A_46 = arith.constant 0 : index
    %get3A_47 = arith.constant 0 : index
    %get3A_48 = memref.load %arg3[%get3A_46, %get3A_47] : memref<1x1xf32, #tpu.memory_space<smem>>
    %reduce_sum3A_49 = vector.shape_cast %min3A_45 : vector<1x15872xf32> to vector<1x1x15872xf32>
    %reduce_sum3A_50 = arith.constant dense<0.000000e+00> : vector<1xf32>
    %reduce_sum3A_51 = vector.multi_reduction <add>, %reduce_sum3A_49, %reduce_sum3A_50 [1, 2] : vector<1x1x15872xf32> to vector<1xf32>
    %reduce_sum3A_52 = vector.shape_cast %reduce_sum3A_51 : vector<1xf32> to vector<1x1x1xf32>
    %reduce_sum3A_53 = vector.extract %reduce_sum3A_52[0, 0, 0] : f32 from vector<1x1x1xf32>
    %add3A_54 = arith.addf %get3A_48, %reduce_sum3A_53 : f32
    %swap3A = arith.constant 0 : index
    %swap3A_55 = arith.constant 0 : index
    %swap3A_56 = memref.load %arg3[%swap3A, %swap3A_55] : memref<1x1xf32, #tpu.memory_space<smem>>
    memref.store %add3A_54, %arg3[%swap3A, %swap3A_55] : memref<1x1xf32, #tpu.memory_space<smem>>
    return
  }
  func.func @transform_0(%arg0: i32) -> (i32, i32) {
    %c0_i32 = arith.constant 0 : i32
    %c0_i32_0 = arith.constant 0 : i32
    return %c0_i32, %arg0 : i32, i32
  }
  func.func @transform_1(%arg0: i32) -> (i32, i32) {
    %c0_i32 = arith.constant 0 : i32
    %c0_i32_0 = arith.constant 0 : i32
    %c0_i32_1 = arith.constant 0 : i32
    return %c0_i32, %c0_i32_0 : i32, i32
  }
  func.func @transform_2(%arg0: i32) -> (i32, i32) {
    %c0_i32 = arith.constant 0 : i32
    %c0_i32_0 = arith.constant 0 : i32
    %c0_i32_1 = arith.constant 0 : i32
    return %c0_i32, %c0_i32_0 : i32, i32
  }
}

</mosaic_0001>

<sc_bundles>
// kernel: kernel.4.cloned.1.call-start
scs
__scs_entry_jumppad:
0x0: {  	(pc) =	sbr.rel $0x88, $3  }
0x1: {  	(tag) =	ssettag $0x0;
	lr =	simm.s32 $0x1  }
0x2: {  	[smem:$0x3F9F] =	sst lr;
	_ =	strace $0xD0000000  }
0x3: {  	_ = 	snop  }
0x4: {  	_ = 	snop  }
0x5: {  	_ = 	snop  }
0x6: {  	_ = 	snop  }
0x7: {  	_ = 	snop  }
__scs_overlays_trampoline_lowered:
0x8: {  	[smem:$0x3FAE] =	sst s0  }
0x9: {  	[smem:$0x3FAF] =	sst s1  }
0xa: {  	[smem:$0x3FB0] =	sst s2  }
0xb: {  	[smem:$0x3FB1] =	sst s3  }
0xc: {  	[smem:$0x3FB2] =	sst s4  }
0xd: {  	[smem:$0x3FB3] =	sst s5  }
0xe: {  	[smem:$0x3FB4] =	sst s6  }
0xf: {  	[smem:$0x3FB5] =	sst s7  }
0x10: {  	[smem:$0x3FB6] =	sst s8  }
0x11: {  	[smem:$0x3FB7] =	sst s9;
	s0 =	simm.s32 @!p0 $0x0  }
0x12: {  	s1 =	sld [smem:$0x3F9D];
	s0 =	simm.s32 @p0 $0x1  }
0x13: {  	[smem:$0x3FB8] =	sst s0;
	s0 =	simm.s32 @!p1 $0x0  }
0x14: {  	s2 =	sld [smem:$0x3F9C];
	s0 =	simm.s32 @p1 $0x1  }
0x15: {  	[smem:$0x3FB9] =	sst s0;
	s0 =	simm.s32 @!p2 $0x0  }
0x16: {  	s3 =	sld [smem:$0x3FDB];
	s0 =	simm.s32 @p2 $0x1  }
0x17: {  	s4 =	simm.s32 $0x1BF5;
	[smem:$0x3FBB] =	sst s0  }
0x18: {  	s0 =	sld [smem:$0x3F9E];
	_ =	swait.ge [sflag:s4], $0x0  }
0x19: {  	s7 =	sld [smem:$0x3F9F]  }
0x1a: {  	s8 =	sadd.s32 $0xFFFFE003, lr  }
0x1b: {  	s9 =	sadd.s32 $0xFFFFFEF7, lr;
	s5 =	simm.s32 $0xFFFFFFFF;
	p2 =	slt.u32 s8, $0xFFFFF086  }
0x1c: {  	p1 =	slt.u32 s9, $0xF7A;
	s5 =	simm.s32 @!p2 $0x0  }
0x1d: {  	s5 =	simm.s32 @p1 $0x1;
	p0 =	seq.s32 s7, s2  }
0x1e: {  	s7 =	smul.u32 @!p0 $0xF7A, s2;
	p2 =	seq.s32 @!p0 s5, $0x0  }
0x1f: {  	s9 =	smul.u32 $0xF7A, s1;
	s8 =	simm.s32 @!p0 $0x1BF5;
	p2 =	por !p2, p0  }
0x20: {  	[sflag:s8] =	ssyncset.s32 @!p0 $0xFFFFF086;
	s6 =	sadd.s32 @!p0 s3, s7;
	s7 =	simm.s32 @!p0 $0x108  }
0x21: {  	s3 =	sadd.s32 s3, s9;
	s6 =	sadd.s32 @!p0 $0x88, s6;
	s7 =	simm.s32 @p2 $0x1082  }
0x22: {  	[simem:s7], [sflag:s8] =	dma.local @!p0 [hbm:s6], $0xF7A  }
0x23: {  	s9 =	sor.u32 $0xD0000000, s2;
	s6 =	simm.s32 $0x108;
	_ =	swait.ge @!p0 [sflag:s8], $0x0  }
0x24: {  	s3 =	sadd.s32 $0x88, s3;
	s6 =	simm.s32 @!p1 $0x1082;
	[sflag:s4] =	ssyncset.s32 $0xFFFFF086  }
0x25: {  	[simem:s6], [sflag:s4] =	dma.local [hbm:s3], $0xF7A  }
0x26: {  	[smem:$0x3F9F] =	sst s1;
	(tag) =	ssettag s2;
	_ =	strace s9  }
0x27: {  	s1 =	sld [smem:$0x3FAF]  }
0x28: {  	s2 =	sld [smem:$0x3FB0]  }
0x29: {  	s4 =	sld [smem:$0x3FB2]  }
0x2a: {  	p0 =	seq.s32 s5, $0x0;
	s5 =	sld [smem:$0x3FB3]  }
0x2b: {  	s6 =	sld [smem:$0x3FB4]  }
0x2c: {  	s7 =	sld [smem:$0x3FB5]  }
0x2d: {  	s3 =	simm.s32 $0x108;
	s8 =	sld [smem:$0x3FB6]  }
0x2e: {  	s3 =	simm.s32 @!p0 $0x1082;
	s9 =	sld [smem:$0x3FB7]  }
0x2f: {  	lr =	sadd.s32 s0, s3;
	s0 =	sld [smem:$0x3FAE]  }
0x30: {  	s3 =	sld [smem:$0x3FB1]  }
0x31: {  	[smem:$0x3FBA] =	sst s10  }
0x32: {  	s10 =	sld [smem:$0x3FB8];
	_ =	sdelay $0x3  }
0x33: {  	p0 =	seq.s32 s10, $0x1;
	s10 =	sld [smem:$0x3FBA];
	_ =	sdelay $0x3  }
0x34: {  	[smem:$0x3FBA] =	sst s10  }
0x35: {  	s10 =	sld [smem:$0x3FB9];
	_ =	sdelay $0x3  }
0x36: {  	p1 =	seq.s32 s10, $0x1;
	s10 =	sld [smem:$0x3FBA];
	_ =	sdelay $0x3  }
0x37: {  	[smem:$0x3FBA] =	sst s10  }
0x38: {  	s10 =	sld [smem:$0x3FBB]  }
0x39: {  	_ = 	snop;
	(pc) =	sbr.ind lr, $3  }
0x3a: {  	_ = 	snop  }
0x3b: {  	_ = 	snop  }
0x3c: {  	p2 =	seq.s32 s10, $0x1;
	s10 =	sld [smem:$0x3FBA]  }
0x3d: {  	_ =	shalt  }
0x3e: {  	_ =	shalt  }
0x3f: {  	_ =	shalt  }
0x40: {  	_ =	shalt  }
0x41: {  	_ =	shalt  }
0x42: {  	_ =	shalt  }
0x43: {  	_ =	shalt  }
0x44: {  	_ =	shalt  }
0x45: {  	_ =	shalt  }
0x46: {  	_ =	shalt  }
0x47: {  	_ =	shalt  }
0x48: {  	_ =	shalt  }
0x49: {  	_ =	shalt  }
0x4a: {  	_ =	shalt  }
0x4b: {  	_ =	shalt  }
0x4c: {  	_ =	shalt  }
0x4d: {  	_ =	shalt  }
0x4e: {  	_ =	shalt  }
0x4f: {  	_ =	shalt  }
0x50: {  	_ =	shalt  }
0x51: {  	_ =	shalt  }
0x52: {  	_ =	shalt  }
0x53: {  	_ =	shalt  }
0x54: {  	_ =	shalt  }
0x55: {  	_ =	shalt  }
0x56: {  	_ =	shalt  }
0x57: {  	_ =	shalt  }
0x58: {  	_ =	shalt  }
0x59: {  	_ =	shalt  }
0x5a: {  	_ =	shalt  }
0x5b: {  	_ =	shalt  }
0x5c: {  	_ =	shalt  }
0x5d: {  	_ =	shalt  }
0x5e: {  	_ =	shalt  }
0x5f: {  	_ =	shalt  }
0x60: {  	_ =	shalt  }
0x61: {  	_ =	shalt  }
0x62: {  	_ =	shalt  }
0x63: {  	_ =	shalt  }
0x64: {  	_ =	shalt  }
0x65: {  	_ =	shalt  }
0x66: {  	_ =	shalt  }
0x67: {  	_ =	shalt  }
0x68: {  	_ =	shalt  }
0x69: {  	_ =	shalt  }
0x6a: {  	_ =	shalt  }
0x6b: {  	_ =	shalt  }
0x6c: {  	_ =	shalt  }
0x6d: {  	_ =	shalt  }
0x6e: {  	_ =	shalt  }
0x6f: {  	_ =	shalt  }
0x70: {  	_ =	shalt  }
0x71: {  	_ =	shalt  }
0x72: {  	_ =	shalt  }
0x73: {  	_ =	shalt  }
0x74: {  	_ =	shalt  }
0x75: {  	_ =	shalt  }
0x76: {  	_ =	shalt  }
0x77: {  	_ =	shalt  }
0x78: {  	_ =	shalt  }
0x79: {  	_ =	shalt  }
0x7a: {  	_ =	shalt  }
0x7b: {  	_ =	shalt  }
0x7c: {  	_ =	shalt  }
0x7d: {  	_ =	shalt  }
0x7e: {  	_ =	shalt  }
0x7f: {  	_ =	shalt  }
0x80: {  	_ =	shalt  }
0x81: {  	_ =	shalt  }
0x82: {  	_ =	shalt  }
0x83: {  	_ =	shalt  }
0x84: {  	_ =	shalt  }
0x85: {  	_ =	shalt  }
0x86: {  	_ =	shalt  }
0x87: {  	_ =	shalt  }
.Lfunc_end0:
.L_simem_size_0:
called_computation_lowered:
.L_overlay_start_0:
0x88: {  	s2 =	sld [smem:$0x3FD9]  }
0x89: {  	s3 =	sld [smem:$0x3FFE];
	_ =	sdelay $0x1  }
0x8a: {  	s1 =	srdreg.scid  }
0x8b: {  	s0 =	sand.u32 $0x1, s1  }
0x8c: {  	s17 =	sshll.u32 s0, $0xA;
	s2 =	sadd.s32 s3, s2  }
0x8d: {  	s2 =	sadd.s32 s2, s17  }
0x8e: {  	[smem:$0x3FC6] =	sst s2  }
0x8f: {  	_ = 	snop  }
0x90: {  	s2 =	sld [smem:$0x3FC8];
	(tm) =	ssettm $0x1  }
0x91: {  	s18 =	sld [smem:$0x3FFB];
	_ =	sdelay $0x3  }
0x92: {  	_ =	strace s18  }
0x93: {  	s3 =	sld [smem:$0x3FFC];
	_ =	sdelay $0x3  }
0x94: {  	_ =	strace s3  }
0x95: {  	s3 =	sld [smem:$0x3FFD];
	_ =	sdelay $0x3  }
0x96: {  	_ =	strace s3  }
0x97: {  	_ =	strace $0x8FFFFFFF  }
0x98: {  	s19 =	sld [smem:$0x3FDB];
	_ =	sdelay $0x1  }
0x99: {  	s4 =	simm.s32 $_scs_section_size  }
0x9a: {  	s5 =	simm.s32 $_size__tile_overlayer_lowered;
	s6 =	simm.s32 $_tile_overlayer_lowered  }
0x9b: {  	s22 =	simm.s32 $0x1BFF;
	s21 =	sshll.u32 s6, $0x1;
	s3 =	sadd.s32 s4, s19  }
0x9c: {  	s7 =	simm.s32 $0x0;
	s20 =	sshll.u32 s5, $0x1;
	s5 =	sadd.s32 s21, s3  }
0x9d: {  	[timem:s7], [sflag:s22] =	dma.local [hbm:s5], s20  }
0x9e: {  	_ =	swait.ge [sflag:s22], s20  }
0x9f: {  	s4 =	ssub.s32 $0x0, s20;
	[sflag:s22] =	ssyncset.done $0x0  }
0xa0: {  	[sflag:s22] =	ssyncadd.s32 s4;
	_ =	sdelay $0x1  }
0xa1: {  	s23 =	simm.s32 $0x1B8B  }
0xa2: {  	_ =	swait.ge [sflag:s23], $0x1  }
0xa3: {  	[sflag:s23] =	ssyncset.done $0x0  }
0xa4: {  	s25 =	simm.s32 $0x1B8E;
	s24 =	sld [smem:$0x3FFE];
	[sflag:s23] =	ssyncadd.s32 $0xFFFFFFFF  }
0xa5: {  	s26 =	simm.s32 $execute0_lowered;
	[smem:$0x3FD2] =	sst s25  }
0xa6: {  	s5 =	sshll.u32 s26, $0x1;
	_ =	strace $0x80000046;
	[dreg:$0x1] =	wrdreg $0xFFFFFFFF  }
0xa7: {  	s28 =	simm.s32 $_size_execute0_lowered;
	s3 =	sadd.s32 s3, s5;
	[dreg:$0x0] =	wrdreg $0x0  }
0xa8: {  	s5 =	sshll.u32 s28, $0x1;
	[dreg:$0x2] =	wrdreg s3  }
0xa9: {  	[dreg:$0x3] =	wrdreg s5  }
0xaa: {  	[dreg:$0x4] =	wrdreg $0xC0  }
0xab: {  	_ =	task [dreg:s7], $0x5FFFF  }
0xac: {  	[dreg:$0x1] =	wrdreg $0xFFFFFFFF  }
0xad: {  	[dreg:$0x0] =	wrdreg $0x60  }
0xae: {  	[dreg:$0x2] =	wrdreg s2  }
0xaf: {  	[dreg:$0x3] =	wrdreg s24  }
0xb0: {  	[dreg:$0x4] =	wrdreg $0x9  }
0xb1: {  	_ =	task.clear_ibuf [dreg:s7], $0x5FFFF;
	_ =	strace $0x90000046  }
0xb2: {  	s29 =	simm.s32 $0x9;
	_ =	strace $0x80000048  }
0xb3: {  	_ =	swait.ge [sflag:s29], $0x1  }
0xb4: {  	[sflag:s29] =	ssyncadd.s32 $0xFFFFFFFF  }
0xb5: {  	_ =	strace $0x90000048  }
0xb6: {  	_ =	sfence  }
0xb7: {  	s30 =	sld [smem:$0x0];
	_ =	sdelay $0x2  }
0xb8: {  	s31 =	sshll.u32 s1, $0xD;
	s1 =	sshrl.u32 s1, $0x2  }
0xb9: {  	s3 =	sand.u32 $0x4000, s31;
	s1 =	sadd.s32 s1, s30  }
0xba: {  	s0 =	sor.u32 s3, s0;
	s1 =	sshll.u32 s1, $0x11  }
0xbb: {  	s0 =	sor.u32 s1, s0  }
0xbc: {  	s0 =	sadd.s32 $0x8F2B, s0  }
0xbd: {  	[sflag:s0] =	ssyncadd.remote.s32 $0x1  }
0xbe: {  	_ =	sfence.sel $0xFFFF  }
0xbf: {  	[dreg:$0x0] =	wrdreg $0xFFFFFFFF;
	(pc) =	sbr.abs _section_cstart, $3  }
0xc0: {  	[dreg:$0x1] =	wrdreg $0xFFFFFFFF  }
0xc1: {  	_ =	task.clear_ibuf [dreg:s7], $0x2FFFF;
	_ =	strace $0x9FFFFFFF  }
0xc2: {  	(tm) =	ssettm $0x7FFFFFFF  }
0xc3: {  	_ =	shalt  }
tec
execute0_lowered:
.L_overlay_start_1:
0x0: {  	(tag) =	ssettag $0x1  }
0x1: {  	s1 =	srdreg.scid;
	s2 =	stileid.u32  }
0x2: {  	s5 =	simm.s32 $0x0;
	s1 =	sand.u32 $0x1, s1;
	s2 =	sshll.u32 s2, $0x1  }
0x3: {  	[smem:$0x7FF] =	sst s5;
	s2 =	sor.u32 s1, s2  }
0x4: {  	s0 =	rddreg [dreg:$0x1];
	_ =	strace $0x80000047;
	s3 =	sshll.u32 s2, $0x8  }
0x5: {  	s1 =	ssub.s32 $0x2, s1;
	s2 =	sshll.u32 s2, $0x4;
	s3 =	sadd.s32 s3, s0  }
0x6: {  	s4 =	sshrl.u32 s1, $0x1;
	s0 =	sadd.s32 s2, s0;
	s30 =	sadd.s32 $0x800, s3  }
0x7: {  	s1 =	ssub.s32 s1, s4;
	s0 =	sadd.s32 $0x2800, s0;
	[dreg:$0x3] =	wrdreg s30  }
0x8: {  	s31 =	smax.u32 s1, $0x1;
	[dreg:$0x4] =	wrdreg s0  }
0x9: {  	v0 =	vlaneseq.u32;
	s2 =	simm.s32 $0x1;
	s1 =	simm.s32 $0x0;
	[dreg:$0x5] =	wrdreg s31  }
.LBB2_1:
0xa: {  	[dreg:$0x6] =	wrdreg s1  }
0xb: {  	s0 =	rddreg [dreg:$0x0]  }
0xc: {  	[tilespmem:s5], [sflag:$0x1] =	stream.linear.gather [hbm4b:s0+s5], $0x4000, $0x38;
	[tilespmem:$0x4C80] =	vst v63  }
0xd: {  	_ =	swait.ge [sflag:s2], $0x4000  }
0xe: {  	[sflag:s2] =	ssyncset.done $0x0  }
0xf: {  	s28 =	simm.s32 $0x4400;
	s26 =	rddreg [dreg:$0x3];
	[sflag:s2] =	ssyncadd.s32 $0xFFFFC000  }
0x10: {  	[tilespmem:s28], [sflag:$0x1] =	stream.linear.gather [hbm4b:s26+s5], $0x800, $0x38;
	[tilespmem:$0x4C80] =	vst v63  }
0x11: {  	_ =	swait.ge [sflag:s2], $0x800  }
0x12: {  	s29 =	sand.u32 $0x70, s5;
	s30 =	sand.u32 $0x1C00, s5;
	[sflag:s2] =	ssyncset.done $0x0  }
0x13: {  	s0 =	sor.u32 s29, s30;
	[sflag:s2] =	ssyncadd.s32 $0xFFFFF800  }
0x14: {  	v1 =	vld [tilespmem:s0+$0x0]  }
0x15: {  	v2 =	vld [tilespmem:s0+$0x80];
	_ =	sdelay $0x1  }
0x16: {  	v3 =	vld [tilespmem:s0+$0x100];
	_ =	sdelay $0x1  }
0x17: {  	v4 =	vld [tilespmem:s0+$0x180]  }
0x18: {  	v1 =	vmul.f32 v1, v1;
	v2 =	vmul.f32 v2, v2  }
0x19: {  	v5 =	vld [tilespmem:s0+$0x200]  }
0x1a: {  	v1 =	vadd.f32 v2, v1;
	v2 =	vmul.f32 v3, v3  }
0x1b: {  	v3 =	vld [tilespmem:s0+$0x280]  }
0x1c: {  	v1 =	vadd.f32 v2, v1;
	v2 =	vmul.f32 v4, v4  }
0x1d: {  	v57 =	vld [tilespmem:s0+$0x300]  }
0x1e: {  	v1 =	vadd.f32 v2, v1;
	v2 =	vmul.f32 v5, v5  }
0x1f: {  	v58 =	vld [tilespmem:s0+$0x380]  }
0x20: {  	v1 =	vadd.f32 v2, v1;
	v2 =	vmul.f32 v3, v3  }
0x21: {  	v3 =	vld [tilespmem:s0+$0x2000]  }
0x22: {  	v1 =	vadd.f32 v2, v1;
	v2 =	vmul.f32 v57, v57  }
0x23: {  	v59 =	vld [tilespmem:s0+$0x2080]  }
0x24: {  	v1 =	vadd.f32 v2, v1;
	v2 =	vmul.f32 v58, v58  }
0x25: {  	v60 =	vld [tilespmem:s0+$0x2100]  }
0x26: {  	v1 =	vadd.f32 v2, v1;
	v2 =	vmul.f32 v3, v3  }
0x27: {  	v3 =	vld [tilespmem:s0+$0x2180]  }
0x28: {  	v1 =	vadd.f32 v2, v1;
	v2 =	vmul.f32 v59, v59  }
0x29: {  	v61 =	vld [tilespmem:s0+$0x2200]  }
0x2a: {  	v1 =	vadd.f32 v2, v1;
	v2 =	vmul.f32 v60, v60  }
0x2b: {  	v62 =	vld [tilespmem:s0+$0x2280]  }
0x2c: {  	v1 =	vadd.f32 v2, v1;
	v2 =	vmul.f32 v3, v3  }
0x2d: {  	v3 =	vld [tilespmem:s0+$0x2300]  }
0x2e: {  	v1 =	vadd.f32 v2, v1;
	v2 =	vmul.f32 v61, v61  }
0x2f: {  	v63 =	vld [tilespmem:s0+$0x2380]  }
0x30: {  	v1 =	vadd.f32 v2, v1;
	v2 =	vmul.f32 v62, v62;
	_ =	sdelay $0x1  }
0x31: {  	v1 =	vadd.f32 v2, v1;
	v2 =	vmul.f32 v3, v3;
	_ =	sdelay $0x1  }
0x32: {  	v1 =	vadd.f32 v2, v1;
	v2 =	vmul.f32 v63, v63;
	_ =	sdelay $0x1  }
0x33: {  	s31 =	simm.s32 $0x10;
	s2 =	simm.s32 $0x80;
	v1 =	vadd.f32 v2, v1  }
0x34: {  	s1 =	sand.u32 $0x70, s31;
	s3 =	sand.u32 $0x1C00, s2;
	s0 =	simm.s32 $0x4000  }
0x35: {  	s1 =	sor.u32 s1, s3;
	s3 =	simm.s32 $0x20;
	[tilespmem:s0+$0x0] =	vst v1  }
.LBB2_2:
0x36: {  	p0 =	sne.s32 s3, $0x3F0;
	v1 =	vld [tilespmem:s1+$0x0]  }
0x37: {  	v2 =	vld [tilespmem:s1+$0x80];
	_ =	sdelay $0x1  }
0x38: {  	v3 =	vld [tilespmem:s1+$0x100];
	_ =	sdelay $0x1  }
0x39: {  	v4 =	vld [tilespmem:s1+$0x180]  }
0x3a: {  	v1 =	vmul.f32 v1, v1;
	v2 =	vmul.f32 v2, v2  }
0x3b: {  	v5 =	vld [tilespmem:s1+$0x200]  }
0x3c: {  	v1 =	vadd.f32 v2, v1;
	v2 =	vmul.f32 v3, v3  }
0x3d: {  	v3 =	vld [tilespmem:s1+$0x280]  }
0x3e: {  	v1 =	vadd.f32 v2, v1;
	v2 =	vmul.f32 v4, v4  }
0x3f: {  	v4 =	vld [tilespmem:s1+$0x300]  }
0x40: {  	v1 =	vadd.f32 v2, v1;
	v2 =	vmul.f32 v5, v5  }
0x41: {  	v5 =	vld [tilespmem:s1+$0x380]  }
0x42: {  	v1 =	vadd.f32 v2, v1;
	v2 =	vmul.f32 v3, v3  }
0x43: {  	v3 =	vld [tilespmem:s1+$0x2000]  }
0x44: {  	v1 =	vadd.f32 v2, v1;
	v2 =	vmul.f32 v4, v4  }
0x45: {  	v4 =	vld [tilespmem:s1+$0x2080]  }
0x46: {  	v1 =	vadd.f32 v2, v1;
	v2 =	vmul.f32 v5, v5  }
0x47: {  	v5 =	vld [tilespmem:s1+$0x2100]  }
0x48: {  	v1 =	vadd.f32 v2, v1;
	v2 =	vmul.f32 v3, v3  }
0x49: {  	v3 =	vld [tilespmem:s1+$0x2180]  }
0x4a: {  	v1 =	vadd.f32 v2, v1;
	v2 =	vmul.f32 v4, v4  }
0x4b: {  	v4 =	vld [tilespmem:s1+$0x2200]  }
0x4c: {  	v1 =	vadd.f32 v2, v1;
	v2 =	vmul.f32 v5, v5  }
0x4d: {  	v5 =	vld [tilespmem:s1+$0x2280]  }
0x4e: {  	v1 =	vadd.f32 v2, v1;
	v2 =	vmul.f32 v3, v3  }
0x4f: {  	v3 =	vld [tilespmem:s1+$0x2300]  }
0x50: {  	v1 =	vadd.f32 v2, v1;
	v2 =	vmul.f32 v4, v4  }
0x51: {  	v4 =	vld [tilespmem:s1+$0x2380]  }
0x52: {  	v1 =	vadd.f32 v2, v1;
	v2 =	vmul.f32 v5, v5;
	_ =	sdelay $0x1  }
0x53: {  	v1 =	vadd.f32 v2, v1;
	v2 =	vmul.f32 v3, v3;
	_ =	sdelay $0x1  }
.Ltmp0:
0x54: {  	v1 =	vadd.f32 v2, v1;
	v2 =	vmul.f32 v4, v4;
	(pc) =	sbr.rel @p0 .LBB2_2-.Ltmp0, $4  }
0x55: {  	_ = 	snop  }
0x56: {  	s2 =	sadd.s32 $0x80, s2;
	v1 =	vadd.f32 v2, v1  }
0x57: {  	s0 =	sadd.s32 $0x10, s0;
	s4 =	sand.u32 $0x1C00, s2;
	s1 =	sand.u32 $0x70, s3  }
0x58: {  	s3 =	sadd.s32 $0x10, s3;
	s1 =	sor.u32 s1, s4;
	[tilespmem:s0+$0x0] =	vst v1  }
0x59: {  	v1 =	vld [tilespmem:s1+$0x0]  }
0x5a: {  	v2 =	vld [tilespmem:s1+$0x80];
	_ =	sdelay $0x1  }
0x5b: {  	v3 =	vld [tilespmem:s1+$0x100];
	_ =	sdelay $0x1  }
0x5c: {  	v4 =	vld [tilespmem:s1+$0x180]  }
0x5d: {  	v1 =	vmul.f32 v1, v1;
	v2 =	vmul.f32 v2, v2  }
0x5e: {  	v5 =	vld [tilespmem:s1+$0x200]  }
0x5f: {  	v1 =	vadd.f32 v2, v1;
	v2 =	vmul.f32 v3, v3  }
0x60: {  	v3 =	vld [tilespmem:s1+$0x280]  }
0x61: {  	v1 =	vadd.f32 v2, v1;
	v2 =	vmul.f32 v4, v4  }
0x62: {  	v57 =	vld [tilespmem:s1+$0x300]  }
0x63: {  	v1 =	vadd.f32 v2, v1;
	v2 =	vmul.f32 v5, v5  }
0x64: {  	v58 =	vld [tilespmem:s1+$0x380]  }
0x65: {  	v1 =	vadd.f32 v2, v1;
	v2 =	vmul.f32 v3, v3  }
0x66: {  	v3 =	vld [tilespmem:s1+$0x2000]  }
0x67: {  	v1 =	vadd.f32 v2, v1;
	v2 =	vmul.f32 v57, v57  }
0x68: {  	v59 =	vld [tilespmem:s1+$0x2080]  }
0x69: {  	v1 =	vadd.f32 v2, v1;
	v2 =	vmul.f32 v58, v58  }
0x6a: {  	v60 =	vld [tilespmem:s1+$0x2100]  }
0x6b: {  	v1 =	vadd.f32 v2, v1;
	v2 =	vmul.f32 v3, v3  }
0x6c: {  	v3 =	vld [tilespmem:s1+$0x2180]  }
0x6d: {  	v1 =	vadd.f32 v2, v1;
	v2 =	vmul.f32 v59, v59  }
0x6e: {  	v61 =	vld [tilespmem:s1+$0x2200]  }
0x6f: {  	v1 =	vadd.f32 v2, v1;
	v2 =	vmul.f32 v60, v60  }
0x70: {  	v62 =	vld [tilespmem:s1+$0x2280]  }
0x71: {  	v1 =	vadd.f32 v2, v1;
	v2 =	vmul.f32 v3, v3  }
0x72: {  	v3 =	vld [tilespmem:s1+$0x2300]  }
0x73: {  	v1 =	vadd.f32 v2, v1;
	v2 =	vmul.f32 v61, v61  }
0x74: {  	v63 =	vld [tilespmem:s1+$0x2380]  }
0x75: {  	v1 =	vadd.f32 v2, v1;
	v2 =	vmul.f32 v62, v62;
	_ =	sdelay $0x1  }
0x76: {  	v1 =	vadd.f32 v2, v1;
	v2 =	vmul.f32 v3, v3;
	_ =	sdelay $0x1  }
0x77: {  	v1 =	vadd.f32 v2, v1;
	v2 =	vmul.f32 v63, v63;
	_ =	sdelay $0x1  }
0x78: {  	v1 =	vadd.f32 v2, v1  }
0x79: {  	s0 =	sadd.s32 $0x10, s0  }
0x7a: {  	s12 =	simm.s32 $0x0;
	[tilespmem:s0+$0x0] =	vst v1;
	v1 =	vimm.f32 $0.0e+00  }
.LBB2_4:
0x7b: {  	s0 =	sshll.u32 s12, $0x8  }
0x7c: {  	s0 =	sand.u32 $0x3FFFFF00, s0  }
0x7d: {  	v2 =	vld [tilespmem:s0+$0x4400];
	_ =	sdelay $0x4  }
0x7e: {  	(v2sf) =	vpush v2, $0x0  }
0x7f: {  	(v2sf) =	vpush v2, $0x1  }
0x80: {  	(v2sf) =	vpush v2, $0x2  }
0x81: {  	(v2sf) =	vpush v2, $0x3  }
0x82: {  	(v2sf) =	vpush v2, $0x4  }
0x83: {  	(v2sf) =	vpush v2, $0x5  }
0x84: {  	(v2sf) =	vpush v2, $0x6  }
0x85: {  	(v2sf) =	vpush v2, $0x7  }
0x86: {  	(v2sf) =	vpush v2, $0x8  }
0x87: {  	s21 =	sshllo.u32 s12, $0x1;
	(v2sf) =	vpush v2, $0x9  }
0x88: {  	s0 =	sshll.u32 s21, $0x7  }
0x89: {  	s0 =	sand.u32 $0x3FFFFF80, s0;
	(v2sf) =	vpush v2, $0xA  }
0x8a: {  	v3 =	vld [tilespmem:s0+$0x4400];
	(v2sf) =	vpush v2, $0xB  }
0x8b: {  	(v2sf) =	vpush v2, $0xC  }
0x8c: {  	(v2sf) =	vpush v2, $0xD  }
0x8d: {  	[dreg:$0x7] =	wrdreg s21;
	s30 =	spop (v2sf);
	(v2sf) =	vpush v2, $0xE  }
0x8e: {  	s29 =	spop (v2sf);
	(v2sf) =	vpush v2, $0xF;
	s22 =	smul.f32 $-2.000000000e+00, s30  }
0x8f: {  	s28 =	spop (v2sf);
	(v2sf) =	vpush v3, $0x0;
	s1 =	smul.f32 $-2.000000000e+00, s29  }
0x90: {  	s26 =	spop (v2sf);
	s2 =	smul.f32 $-2.000000000e+00, s28  }
0x91: {  	(v2sf) =	vpush v3, $0x1;
	s25 =	spop (v2sf);
	s3 =	smul.f32 $-2.000000000e+00, s26  }
0x92: {  	s24 =	spop (v2sf);
	s4 =	smul.f32 $-2.000000000e+00, s25  }
0x93: {  	(v2sf) =	vpush v3, $0x2;
	s23 =	spop (v2sf);
	s5 =	smul.f32 $-2.000000000e+00, s24  }
0x94: {  	s14 =	simm.s32 $0x0;
	s9 =	spop (v2sf);
	s6 =	smul.f32 $-2.000000000e+00, s23  }
0x95: {  	s7 =	sand.u32 $0x70, s14;
	(v2sf) =	vpush v3, $0x3;
	s11 =	spop (v2sf);
	[dreg:$0x10] =	wrdreg s9  }
0x96: {  	s8 =	sand.u32 $0x1C00, s14;
	(v2sf) =	vpush v3, $0x4;
	s9 =	smul.f32 $-2.000000000e+00, s9;
	s13 =	spop (v2sf)  }
0x97: {  	s16 =	sor.u32 s7, s8;
	(v2sf) =	vpush v3, $0x5;
	[dreg:$0xf] =	wrdreg s11;
	s7 =	smul.f32 $-2.000000000e+00, s11  }
0x98: {  	s10 =	spop (v2sf);
	(v2sf) =	vpush v3, $0x6;
	[dreg:$0xe] =	wrdreg s13  }
0x99: {  	v17 =	vmov s22;
	s22 =	smul.f32 $-2.000000000e+00, s13;
	s20 =	spop (v2sf);
	(v2sf) =	vpush v3, $0x7  }
0x9a: {  	[dreg:$0xd] =	wrdreg s10;
	s19 =	spop (v2sf);
	(v2sf) =	vpush v3, $0x8  }
0x9b: {  	v12 =	vmov s5;
	s5 =	smul.f32 $-2.000000000e+00, s10;
	s17 =	spop (v2sf);
	(v2sf) =	vpush v3, $0x9  }
0x9c: {  	s8 =	smul.f32 $-2.000000000e+00, s20;
	s18 =	spop (v2sf)  }
0x9d: {  	s21 =	simm.s32 $0x4000;
	v2 =	vld [tilespmem:s16+$0x0];
	[dreg:$0xb] =	wrdreg s19;
	(v2sf) =	vpush v3, $0xA;
	s15 =	spop (v2sf)  }
0x9e: {  	v5 =	vld [tilespmem:s21+$0x0];
	v16 =	vmov s1;
	v15 =	vmov s2;
	s19 =	smul.f32 $-2.000000000e+00, s19;
	(v2sf) =	vpush v3, $0xB;
	s11 =	spop (v2sf)  }
0x9f: {  	v6 =	vld [tilespmem:s16+$0x80];
	v14 =	vmov s3;
	v13 =	vmov s4;
	[dreg:$0xc] =	wrdreg s20;
	(v2sf) =	vpush v3, $0xC;
	s3 =	smul.f32 $-2.000000000e+00, s11  }
0xa0: {  	v11 =	vmov s6;
	v10 =	vmov s9;
	s21 =	smul.f32 $-2.000000000e+00, s17;
	(v2sf) =	vpush v3, $0xD;
	s13 =	spop (v2sf)  }
0xa1: {  	v18 =	vld [tilespmem:s16+$0x100];
	v9 =	vmov s7;
	[dreg:$0x9] =	wrdreg s17;
	(v2sf) =	vpush v3, $0xE;
	s6 =	smul.f32 $-2.000000000e+00, s13;
	v21 =	vmov s3  }
0xa2: {  	v8 =	vmov s22;
	s2 =	smul.f32 $-2.000000000e+00, s18;
	(v2sf) =	vpush v3, $0xF;
	s10 =	spop (v2sf);
	v3 =	vmul.f32 v2, v21  }
0xa3: {  	v19 =	vld [tilespmem:s16+$0x180];
	v7 =	vmov s5;
	[dreg:$0xa] =	wrdreg s18;
	s9 =	smul.f32 $-2.000000000e+00, s10;
	v23 =	vmov s6;
	v2 =	vmul.f32 v2, v17  }
0xa4: {  	v4 =	vmov s8;
	s17 =	smul.f32 $-2.000000000e+00, s15;
	s3 =	spop (v2sf);
	v22 =	vmul.f32 v6, v23;
	v20 =	vadd.f32 v3, v5  }
0xa5: {  	s20 =	smul.f32 $-2.000000000e+00, s3;
	v24 =	vmov s9;
	v2 =	vadd.f32 v2, v5;
	v5 =	vmul.f32 v6, v16;
	s7 =	spop (v2sf)  }
0xa6: {  	v6 =	vld [tilespmem:s16+$0x200];
	v3 =	vmov s19;
	s6 =	spop (v2sf);
	s22 =	smul.f32 $-2.000000000e+00, s7;
	v20 =	vadd.f32 v22, v20;
	v22 =	vmul.f32 v18, v24  }
0xa7: {  	v25 =	vld [tilespmem:s16+$0x280];
	v26 =	vmov s20;
	v5 =	vadd.f32 v5, v2;
	v18 =	vmul.f32 v18, v15;
	s5 =	spop (v2sf);
	s4 =	smul.f32 $-2.000000000e+00, s6  }
0xa8: {  	v28 =	vld [tilespmem:s16+$0x300];
	s9 =	sor.u32 s14, s14;
	v2 =	vmov s21;
	s8 =	spop (v2sf);
	s18 =	smul.f32 $-2.000000000e+00, s5;
	v20 =	vadd.f32 v22, v20;
	v22 =	vmul.f32 v19, v26  }
0xa9: {  	v35 =	vld [tilespmem:s16+$0x2000];
	s14 =	sor.u32 $0x380, s9;
	v27 =	vmov s22;
	v18 =	vadd.f32 v18, v5;
	v19 =	vmul.f32 v19, v14;
	s9 =	spop (v2sf);
	s19 =	smul.f32 $-2.000000000e+00, s8  }
0xaa: {  	v36 =	vld [tilespmem:s16+$0x2080];
	v31 =	vmov s4;
	s4 =	spop (v2sf);
	v33 =	vmov s18;
	s20 =	smul.f32 $-2.000000000e+00, s9;
	v20 =	vadd.f32 v22, v20  }
0xab: {  	v38 =	vld [tilespmem:s16+$0x2100];
	v22 =	vmul.f32 v6, v27;
	v18 =	vadd.f32 v19, v18;
	v32 =	vmov s19;
	s21 =	smul.f32 $-2.000000000e+00, s4;
	s19 =	simm.s32 $0x4010  }
0xac: {  	s18 =	simm.s32 $0x10;
	v19 =	vmul.f32 v6, v13;
	v6 =	vmov s17;
	v30 =	vmov s20;
	v37 =	vld [tilespmem:s19+$0x0];
	s19 =	simm.s32 $0x80  }
0xad: {  	v34 =	vld [tilespmem:s14+$0x0];
	s17 =	sand.u32 $0x70, s18;
	v20 =	vadd.f32 v22, v20;
	v22 =	vmul.f32 v25, v31;
	v29 =	vmov s21;
	s21 =	sand.u32 $0x1C00, s19  }
0xae: {  	v42 =	vld [tilespmem:s16+$0x2200];
	s1 =	spop (v2sf);
	v18 =	vadd.f32 v19, v18;
	v19 =	vmul.f32 v25, v12;
	v39 =	vmul.f32 v35, v30;
	s17 =	sor.u32 s17, s21  }
0xaf: {  	v5 =	vmov s2;
	s22 =	smul.f32 $-2.000000000e+00, s1;
	v35 =	vmul.f32 v35, v9;
	v52 =	vmul.f32 v36, v29;
	v41 =	vld [tilespmem:s17+$0x0]  }
0xb0: {  	v45 =	vld [tilespmem:s16+$0x2280];
	s2 =	spop (v2sf);
	v36 =	vmul.f32 v36, v8;
	v20 =	vadd.f32 v22, v20;
	v22 =	vmul.f32 v28, v33  }
0xb1: {  	s31 =	spop (v2sf);
	v18 =	vadd.f32 v19, v18;
	v19 =	vmul.f32 v28, v11;
	v28 =	vmov s22;
	v43 =	vld [tilespmem:s17+$0x80]  }
0xb2: {  	s22 =	smul.f32 $-2.000000000e+00, s31;
	v46 =	vld [tilespmem:s17+$0x100];
	v44 =	vmul.f32 v38, v28;
	v20 =	vadd.f32 v22, v20;
	v22 =	vmul.f32 v34, v32  }
0xb3: {  	s20 =	smul.f32 $-2.000000000e+00, s2;
	s0 =	spop (v2sf);
	v48 =	vld [tilespmem:s17+$0x180];
	v38 =	vmul.f32 v38, v7;
	v34 =	vmul.f32 v34, v10;
	v18 =	vadd.f32 v19, v18  }
0xb4: {  	s21 =	smul.f32 $-2.000000000e+00, s0;
	v19 =	vadd.f32 v22, v20;
	v22 =	vmov s22;
	v47 =	vmul.f32 v41, v21  }
0xb5: {  	v25 =	vmov s20;
	v41 =	vmul.f32 v41, v17;
	v49 =	vmul.f32 v42, v22  }
0xb6: {  	v20 =	vmov s21;
	v50 =	vmul.f32 v43, v23;
	v53 =	vmul.f32 v43, v16  }
0xb7: {  	v40 =	vld [tilespmem:s16+$0x2180];
	v18 =	vadd.f32 v34, v18;
	v54 =	vmul.f32 v45, v20;
	v55 =	vmul.f32 v46, v24  }
0xb8: {  	[dreg:$0x8] =	wrdreg s15;
	s15 =	spop (v2sf);
	v34 =	vimm.f32 $1.000000020e+30;
	v56 =	vmul.f32 v46, v15;
	v59 =	vmul.f32 v48, v26  }
0xb9: {  	s20 =	smul.f32 $-2.000000000e+00, s15;
	v60 =	vmul.f32 v48, v14;
	v42 =	vmul.f32 v42, v3;
	v51 =	vadd.f32 v39, v19  }
0xba: {  	v57 =	vld [tilespmem:s17+$0x280];
	v45 =	vmul.f32 v45, v2;
	v35 =	vadd.f32 v35, v18;
	v47 =	vadd.f32 v47, v37  }
0xbb: {  	s14 =	spop (v2sf);
	v19 =	vmov s20;
	v37 =	vadd.f32 v41, v37;
	v41 =	vld [tilespmem:s17+$0x200];
	v39 =	vadd.f32 v52, v51  }
0xbc: {  	v61 =	vld [tilespmem:s17+$0x300];
	s22 =	smul.f32 $-2.000000000e+00, s14;
	v35 =	vadd.f32 v36, v35;
	v36 =	vmul.f32 v40, v4;
	v47 =	vadd.f32 v50, v47  }
0xbd: {  	v40 =	vmul.f32 v40, v25;
	v52 =	vld [tilespmem:s17+$0x2100];
	v37 =	vadd.f32 v53, v37;
	v39 =	vadd.f32 v44, v39  }
0xbe: {  	v18 =	vmov s22;
	v44 =	vld [tilespmem:s16+$0x2300];
	v35 =	vadd.f32 v38, v35;
	v47 =	vadd.f32 v55, v47  }
0xbf: {  	s19 =	sor.u32 s19, s18;
	v38 =	vld [tilespmem:s16+$0x2380];
	v37 =	vadd.f32 v56, v37;
	v56 =	vmul.f32 v57, v31;
	v39 =	vadd.f32 v40, v39  }
0xc0: {  	s16 =	sor.u32 $0x380, s19;
	v57 =	vmul.f32 v57, v12;
	v63 =	vmul.f32 v41, v27;
	v35 =	vadd.f32 v36, v35  }
0xc1: {  	v51 =	vld [tilespmem:s16+$0x0];
	v47 =	vadd.f32 v59, v47;
	v59 =	vmul.f32 v61, v33;
	v39 =	vadd.f32 v49, v39  }
0xc2: {  	v37 =	vadd.f32 v60, v37;
	v60 =	vmul.f32 v61, v11;
	v61 =	vld [tilespmem:s17+$0x2080];
	v40 =	vmul.f32 v52, v28  }
0xc3: {  	s18 =	simm.s32 $0x20;
	s19 =	simm.s32 $0x100;
	v58 =	vmul.f32 v44, v19;
	v39 =	vadd.f32 v54, v39;
	v54 =	vmul.f32 v41, v13  }
0xc4: {  	s21 =	sand.u32 $0x70, s18;
	s22 =	sand.u32 $0x1C00, s19;
	v35 =	vadd.f32 v42, v35;
	v62 =	vmul.f32 v38, v18;
	v55 =	vadd.f32 v63, v47  }
0xc5: {  	s16 =	sor.u32 s21, s22;
	v44 =	vmul.f32 v44, v5;
	v39 =	vadd.f32 v58, v39;
	v37 =	vadd.f32 v54, v37;
	v58 =	vld [tilespmem:s17+$0x2000]  }
0xc6: {  	v38 =	vmul.f32 v38, v6;
	v63 =	vmul.f32 v51, v10;
	v36 =	vadd.f32 v56, v55;
	v55 =	vld [tilespmem:s16+$0x0]  }
0xc7: {  	v42 =	vld [tilespmem:s17+$0x2200];
	v35 =	vadd.f32 v45, v35;
	v56 =	vmul.f32 v61, v29;
	v37 =	vadd.f32 v57, v37  }
0xc8: {  	s20 =	simm.s32 $0x4020;
	v54 =	vld [tilespmem:s17+$0x2180];
	v36 =	vadd.f32 v59, v36;
	v39 =	vadd.f32 v62, v39;
	v62 =	vmul.f32 v51, v32  }
0xc9: {  	v47 =	vld [tilespmem:s20+$0x0];
	v43 =	vmul.f32 v61, v8;
	v35 =	vadd.f32 v44, v35;
	v37 =	vadd.f32 v60, v37  }
0xca: {  	v57 =	vld [tilespmem:s16+$0x80];
	v39 =	vmin.f32 v34, v39;
	v36 =	vadd.f32 v62, v36;
	v53 =	vmul.f32 v58, v30  }
0xcb: {  	v59 =	vmul.f32 v55, v21;
	v46 =	vmul.f32 v58, v9;
	v37 =	vadd.f32 v63, v37  }
0xcc: {  	v48 =	vld [tilespmem:s16+$0x180];
	v62 =	vmul.f32 v55, v17;
	v58 =	vmul.f32 v52, v7;
	v36 =	vadd.f32 v53, v36  }
0xcd: {  	v61 =	vmul.f32 v54, v25;
	v63 =	vmul.f32 v42, v22;
	v37 =	vadd.f32 v46, v37;
	v46 =	vld [tilespmem:s16+$0x100]  }
0xce: {  	v45 =	vld [tilespmem:s16+$0x200];
	v42 =	vmul.f32 v42, v3;
	v41 =	vadd.f32 v56, v36;
	v36 =	vadd.f32 v38, v35  }
0xcf: {  	v50 =	vld [tilespmem:s17+$0x2280];
	v52 =	vmul.f32 v57, v23;
	v35 =	vadd.f32 v59, v47;
	v56 =	vadd.f32 v62, v47  }
0xd0: {  	v57 =	vmul.f32 v57, v16;
	v37 =	vadd.f32 v43, v37;
	v60 =	vadd.f32 v40, v41  }
0xd1: {  	v51 =	vld [tilespmem:s17+$0x2300];
	v62 =	vmul.f32 v48, v26;
	v43 =	vmul.f32 v54, v4;
	v35 =	vadd.f32 v52, v35  }
0xd2: {  	v44 =	vadd.f32 v58, v37;
	v37 =	vld [tilespmem:s17+$0x2380];
	v38 =	vadd.f32 v61, v60;
	v59 =	vmul.f32 v46, v24  }
0xd3: {  	v40 =	vadd.f32 v57, v56;
	v57 =	vmul.f32 v45, v27;
	v60 =	vmul.f32 v46, v15;
	v46 =	vld [tilespmem:s16+$0x280]  }
0xd4: {  	v58 =	vmul.f32 v50, v20;
	v38 =	vadd.f32 v63, v38;
	v35 =	vadd.f32 v59, v35  }
0xd5: {  	s21 =	sor.u32 s19, s18;
	v47 =	vld [tilespmem:s16+$0x300];
	v43 =	vadd.f32 v43, v44;
	v40 =	vadd.f32 v60, v40;
	v63 =	vmul.f32 v48, v14  }
0xd6: {  	s17 =	sor.u32 $0x380, s21;
	v61 =	vmul.f32 v51, v19;
	v38 =	vadd.f32 v58, v38;
	v35 =	vadd.f32 v62, v35  }
0xd7: {  	v59 =	vmul.f32 v45, v13;
	v56 =	vmul.f32 v37, v18;
	v58 =	vld [tilespmem:s17+$0x0];
	v40 =	vadd.f32 v63, v40  }
0xd8: {  	v60 =	vmul.f32 v46, v31;
	v38 =	vadd.f32 v61, v38;
	v35 =	vadd.f32 v57, v35  }
0xd9: {  	v41 =	vld [tilespmem:s16+$0x2000];
	v48 =	vmul.f32 v50, v2;
	v40 =	vadd.f32 v59, v40;
	v61 =	vmul.f32 v46, v12  }
0xda: {  	v62 =	vmul.f32 v47, v33;
	v38 =	vadd.f32 v56, v38;
	v44 =	vadd.f32 v60, v35  }
0xdb: {  	s19 =	simm.s32 $0x4030;
	s22 =	sshll.u32 s12, $0x1;
	v42 =	vadd.f32 v42, v43;
	v47 =	vmul.f32 v47, v11;
	v63 =	vadd.f32 v61, v40;
	v40 =	vld [tilespmem:s16+$0x2080]  }
0xdc: {  	s18 =	simm.s32 $0x30;
	[dreg:$0x11] =	wrdreg s22;
	s17 =	simm.s32 $0x180;
	v46 =	vmul.f32 v58, v32;
	v35 =	vmin.f32 v39, v38;
	v38 =	vld [tilespmem:s19+$0x0];
	v45 =	vadd.f32 v62, v44  }
0xdd: {  	s20 =	simm.s32 $0x40;
	s21 =	sand.u32 $0x70, s18;
	v43 =	vmul.f32 v51, v5;
	s22 =	sand.u32 $0x1C00, s17;
	v44 =	vmul.f32 v58, v10;
	v47 =	vadd.f32 v47, v63;
	v39 =	vld [tilespmem:s16+$0x2100]  }
.LBB2_5:
0xde: {  	p0 =	sne.s32 s20, $0x3F0;
	s21 =	sor.u32 s21, s22;
	v45 =	vadd.f32 v46, v45;
	v46 =	vmul.f32 v41, v9;
	v41 =	vmul.f32 v41, v30;
	v49 =	vld [tilespmem:s16+$0x2180]  }
0xdf: {  	v37 =	vmul.f32 v37, v6;
	v50 =	vld [tilespmem:s21+$0x0];
	v44 =	vadd.f32 v44, v47;
	v42 =	vadd.f32 v48, v42  }
0xe0: {  	v41 =	vadd.f32 v41, v45;
	v45 =	vmul.f32 v40, v8;
	v40 =	vmul.f32 v40, v29;
	v47 =	vld [tilespmem:s16+$0x2200]  }
0xe1: {  	v34 =	vmin.f32 v34, v36;
	v48 =	vld [tilespmem:s21+$0x80];
	v44 =	vadd.f32 v46, v44;
	v42 =	vadd.f32 v43, v42  }
0xe2: {  	v40 =	vadd.f32 v40, v41;
	v41 =	vmul.f32 v39, v7;
	v39 =	vmul.f32 v39, v28;
	v43 =	vld [tilespmem:s16+$0x2280]  }
0xe3: {  	v46 =	vld [tilespmem:s21+$0x100];
	v44 =	vadd.f32 v45, v44;
	v45 =	vmul.f32 v49, v4;
	v36 =	vadd.f32 v37, v42  }
0xe4: {  	v37 =	vmul.f32 v50, v21;
	v39 =	vadd.f32 v39, v40;
	v40 =	vmul.f32 v49, v25;
	v49 =	vld [tilespmem:s16+$0x2300]  }
0xe5: {  	v42 =	vmul.f32 v50, v17;
	v50 =	vld [tilespmem:s21+$0x180];
	v41 =	vadd.f32 v41, v44;
	v44 =	vmul.f32 v47, v22  }
0xe6: {  	v51 =	vadd.f32 v37, v38;
	v52 =	vmul.f32 v48, v23;
	v39 =	vadd.f32 v40, v39;
	v37 =	vld [tilespmem:s16+$0x2380];
	s16 =	smov.u32 s21  }
0xe7: {  	v38 =	vadd.f32 v42, v38;
	v40 =	vmul.f32 v48, v16;
	v42 =	vld [tilespmem:s16+$0x200];
	v48 =	vmul.f32 v43, v20  }
0xe8: {  	v51 =	vadd.f32 v52, v51;
	v52 =	vmul.f32 v46, v24;
	v39 =	vadd.f32 v44, v39  }
0xe9: {  	v38 =	vadd.f32 v40, v38;
	v40 =	vmul.f32 v46, v15;
	v44 =	vld [tilespmem:s16+$0x280];
	v46 =	vmul.f32 v49, v19  }
0xea: {  	v51 =	vadd.f32 v52, v51;
	v52 =	vmul.f32 v50, v26;
	v39 =	vadd.f32 v48, v39  }
0xeb: {  	s21 =	sor.u32 s17, s18;
	s18 =	smov.u32 s20;
	v38 =	vadd.f32 v40, v38;
	v40 =	vmul.f32 v50, v14;
	v48 =	vld [tilespmem:s16+$0x300];
	v50 =	vmul.f32 v37, v18  }
0xec: {  	s21 =	sor.u32 $0x380, s21;
	v51 =	vadd.f32 v52, v51;
	v52 =	vmul.f32 v42, v27;
	v39 =	vadd.f32 v46, v39  }
0xed: {  	v38 =	vadd.f32 v40, v38;
	v40 =	vmul.f32 v42, v13;
	v42 =	vadd.f32 v45, v41;
	v46 =	vld [tilespmem:s21+$0x0]  }
0xee: {  	v45 =	vadd.f32 v52, v51;
	v51 =	vmul.f32 v44, v31;
	v39 =	vadd.f32 v50, v39  }
.Ltmp1:
0xef: {  	v38 =	vadd.f32 v40, v38;
	v40 =	vmul.f32 v44, v12;
	v44 =	vmul.f32 v47, v3;
	v41 =	vld [tilespmem:s16+$0x2000];
	(pc) =	sbr.rel @p0 .LBB2_5-.Ltmp1, $4  }
0xf0: {  	v45 =	vadd.f32 v51, v45;
	v47 =	vmul.f32 v48, v33;
	v35 =	vmin.f32 v35, v39  }
0xf1: {  	s19 =	sadd.s32 $0x10, s19;
	v39 =	vadd.f32 v40, v38;
	v48 =	vmul.f32 v48, v11;
	v42 =	vadd.f32 v44, v42;
	v40 =	vld [tilespmem:s16+$0x2080]  }
0xf2: {  	s17 =	sadd.s32 $0x80, s17;
	v38 =	vld [tilespmem:s19+$0x0];
	v45 =	vadd.f32 v47, v45;
	v44 =	vmul.f32 v46, v10;
	v46 =	vmul.f32 v46, v32  }
0xf3: {  	s20 =	sadd.s32 $0x10, s20;
	s22 =	sand.u32 $0x1C00, s17;
	s21 =	sand.u32 $0x70, s18;
	v47 =	vadd.f32 v48, v39;
	v48 =	vmul.f32 v43, v2;
	v43 =	vmul.f32 v49, v5;
	v39 =	vld [tilespmem:s16+$0x2100]  }
0xf4: {  	s19 =	sor.u32 s21, s22  }
0xf5: {  	v49 =	vld [tilespmem:s19+$0x0];
	_ =	sdelay $0x1  }
0xf6: {  	v50 =	vld [tilespmem:s19+$0x80]  }
0xf7: {  	v61 =	vmul.f32 v41, v9  }
0xf8: {  	v45 =	vadd.f32 v46, v45;
	v62 =	vmul.f32 v41, v30;
	v37 =	vmul.f32 v37, v6;
	v63 =	vld [tilespmem:s19+$0x100]  }
0xf9: {  	v44 =	vadd.f32 v44, v47;
	v42 =	vadd.f32 v48, v42;
	v17 =	vmul.f32 v49, v17  }
0xfa: {  	v53 =	vld [tilespmem:s19+$0x180];
	v41 =	vadd.f32 v62, v45;
	v52 =	vmul.f32 v40, v8;
	v21 =	vmul.f32 v49, v21  }
0xfb: {  	v56 =	vld [tilespmem:s16+$0x2180];
	v54 =	vmul.f32 v40, v29;
	v16 =	vmul.f32 v50, v16;
	v17 =	vadd.f32 v17, v38  }
0xfc: {  	v55 =	vld [tilespmem:s19+$0x200];
	v44 =	vadd.f32 v61, v44;
	v23 =	vmul.f32 v50, v23;
	v21 =	vadd.f32 v21, v38  }
0xfd: {  	v58 =	vld [tilespmem:s19+$0x280];
	v42 =	vadd.f32 v43, v42;
	v15 =	vmul.f32 v63, v15;
	v16 =	vadd.f32 v16, v17  }
0xfe: {  	v48 =	vld [tilespmem:s16+$0x2200];
	v59 =	vadd.f32 v54, v41;
	v57 =	vmul.f32 v63, v24;
	v21 =	vadd.f32 v23, v21  }
0xff: {  	s17 =	sor.u32 s17, s18;
	v62 =	vld [tilespmem:s19+$0x300];
	v60 =	vmul.f32 v39, v7;
	v14 =	vmul.f32 v53, v14;
	v15 =	vadd.f32 v15, v16  }
0x100: {  	s17 =	sor.u32 $0x380, s17;
	v40 =	vld [tilespmem:s19+$0x2200];
	v45 =	vadd.f32 v52, v44;
	v61 =	vmul.f32 v53, v26;
	v21 =	vadd.f32 v57, v21  }
0x101: {  	v43 =	vld [tilespmem:s17+$0x0];
	v63 =	vmul.f32 v39, v28;
	v13 =	vmul.f32 v55, v13;
	v14 =	vadd.f32 v14, v15  }
0x102: {  	v51 =	vld [tilespmem:s19+$0x2000];
	v47 =	vmul.f32 v55, v27;
	v49 =	vmul.f32 v56, v4;
	v21 =	vadd.f32 v61, v21  }
0x103: {  	v12 =	vmul.f32 v58, v12;
	v50 =	vmul.f32 v58, v31;
	v55 =	vld [tilespmem:s19+$0x2080];
	v13 =	vadd.f32 v13, v14  }
0x104: {  	s11 =	smul.f32 s11, s11;
	v53 =	vmul.f32 v56, v25;
	v56 =	vld [tilespmem:s16+$0x2300];
	v46 =	vmul.f32 v48, v3;
	v21 =	vadd.f32 v47, v21  }
0x105: {  	s13 =	smul.f32 s13, s13;
	v58 =	vld [tilespmem:s19+$0x2100];
	v11 =	vmul.f32 v62, v11;
	v54 =	vmul.f32 v62, v33;
	v12 =	vadd.f32 v12, v13  }
0x106: {  	s21 =	smul.f32 s30, s30;
	v3 =	vmul.f32 v40, v3;
	v10 =	vmul.f32 v43, v10;
	v21 =	vadd.f32 v50, v21  }
0x107: {  	s10 =	smul.f32 s10, s10;
	s11 =	sadd.f32 s13, s11;
	v17 =	vmin.f32 v34, v36;
	v34 =	vadd.f32 v63, v59;
	v11 =	vadd.f32 v11, v12  }
0x108: {  	s20 =	smul.f32 s24, s24;
	s24 =	rddreg [dreg:$0x10];
	v59 =	vmul.f32 v51, v9;
	v15 =	vmul.f32 v43, v32;
	v21 =	vadd.f32 v54, v21  }
0x109: {  	s3 =	smul.f32 s3, s3;
	s10 =	sadd.f32 s11, s10;
	v52 =	vld [tilespmem:s16+$0x2280];
	v36 =	vmul.f32 v56, v19;
	v39 =	vmul.f32 v55, v29;
	v10 =	vadd.f32 v10, v11  }
0x10a: {  	s30 =	smul.f32 s26, s26;
	s26 =	rddreg [dreg:$0xf];
	v62 =	vld [tilespmem:s19+$0x2180];
	v41 =	vmul.f32 v58, v7;
	v61 =	vmul.f32 v51, v30;
	v15 =	vadd.f32 v15, v21  }
0x10b: {  	s7 =	smul.f32 s7, s7;
	s3 =	sadd.f32 s10, s3;
	v13 =	vadd.f32 v53, v34;
	v34 =	vmul.f32 v55, v8;
	v9 =	vadd.f32 v59, v10  }
0x10c: {  	s22 =	smul.f32 s29, s29;
	s11 =	rddreg [dreg:$0xb];
	v63 =	vld [tilespmem:s16+$0x2380];
	v57 =	vmul.f32 v48, v22;
	v14 =	vadd.f32 v37, v42;
	v37 =	vadd.f32 v61, v15  }
0x10d: {  	s6 =	smul.f32 s6, s6;
	s3 =	sadd.f32 s3, s7;
	v44 =	vmul.f32 v58, v28;
	v16 =	vadd.f32 v60, v45;
	v8 =	vadd.f32 v34, v9  }
0x10e: {  	s28 =	smul.f32 s28, s28;
	s16 =	sadd.f32 s22, s21;
	v60 =	vmul.f32 v52, v20;
	v45 =	vld [tilespmem:s19+$0x2280];
	v12 =	vadd.f32 v57, v13;
	v43 =	vadd.f32 v39, v37  }
0x10f: {  	s5 =	smul.f32 s5, s5;
	s3 =	sadd.f32 s3, s6;
	v42 =	vadd.f32 v49, v16;
	v47 =	vmul.f32 v62, v4;
	v7 =	vadd.f32 v41, v8  }
0x110: {  	s29 =	sadd.f32 s16, s28;
	v49 =	vmul.f32 v62, v25;
	v50 =	vld [tilespmem:s19+$0x2300];
	v11 =	vadd.f32 v60, v12;
	v12 =	vadd.f32 v44, v43  }
0x111: {  	s18 =	smul.f32 s25, s25;
	v52 =	vmul.f32 v52, v2;
	s3 =	sadd.f32 s3, s5;
	v48 =	vmul.f32 v63, v18;
	v4 =	vadd.f32 v47, v7  }
0x112: {  	s28 =	smul.f32 s9, s9;
	s9 =	rddreg [dreg:$0xc];
	v51 =	vld [tilespmem:s19+$0x2380];
	v21 =	vmul.f32 v40, v22;
	v9 =	vadd.f32 v46, v42;
	v12 =	vadd.f32 v49, v12  }
0x113: {  	s25 =	smul.f32 s8, s8;
	s16 =	rddreg [dreg:$0x9];
	v2 =	vmul.f32 v45, v2;
	v53 =	vmul.f32 v56, v5;
	v3 =	vadd.f32 v3, v4  }
0x114: {  	s17 =	sadd.f32 s29, s30;
	v55 =	vmul.f32 v45, v20;
	v54 =	vadd.f32 v52, v9;
	v12 =	vadd.f32 v21, v12  }
0x115: {  	s3 =	sadd.f32 s3, s25;
	v56 =	vmul.f32 v63, v6;
	v57 =	vmul.f32 v50, v5;
	v2 =	vadd.f32 v2, v3  }
0x116: {  	s19 =	sadd.f32 s17, s18;
	v58 =	vmul.f32 v50, v19;
	v3 =	vadd.f32 v53, v54;
	v9 =	vadd.f32 v55, v12  }
0x117: {  	s29 =	rddreg [dreg:$0xe];
	v10 =	vadd.f32 v36, v11;
	v59 =	vmul.f32 v51, v6;
	v2 =	vadd.f32 v57, v2  }
0x118: {  	s22 =	smul.f32 s23, s23;
	s21 =	sadd.f32 s19, s20;
	v60 =	vmul.f32 v51, v18;
	v3 =	vadd.f32 v56, v3;
	v4 =	vadd.f32 v58, v9  }
0x119: {  	s4 =	smul.f32 s4, s4;
	s3 =	sadd.f32 s3, s28;
	v62 =	vmin.f32 v17, v14;
	v61 =	vadd.f32 v48, v10;
	v2 =	vadd.f32 v59, v2  }
0x11a: {  	s7 =	smul.f32 s24, s24;
	s23 =	sadd.f32 s21, s22;
	v4 =	vadd.f32 v60, v4;
	v3 =	vmin.f32 v62, v3  }
0x11b: {  	s3 =	sadd.f32 s3, s4;
	v63 =	vmin.f32 v35, v61;
	v2 =	vmin.f32 v3, v2  }
0x11c: {  	s6 =	sadd.f32 s23, s7;
	s7 =	smul.f32 s26, s26;
	v3 =	vmin.f32 v63, v4;
	(v2sf) =	vpush v2, $0x0  }
0x11d: {  	s1 =	smul.f32 s1, s1;
	s18 =	rddreg [dreg:$0xa];
	(v2sf) =	vpush v3, $0x0  }
0x11e: {  	s6 =	sadd.f32 s6, s7;
	s7 =	smul.f32 s29, s29;
	(v2sf) =	vpush v2, $0x1  }
0x11f: {  	s1 =	sadd.f32 s3, s1;
	(v2sf) =	vpush v3, $0x1  }
0x120: {  	s30 =	sadd.f32 s6, s7;
	(v2sf) =	vpush v2, $0x2  }
0x121: {  	s2 =	smul.f32 s2, s2;
	s7 =	rddreg [dreg:$0xd];
	(v2sf) =	vpush v3, $0x2  }
0x122: {  	s20 =	rddreg [dreg:$0x8];
	s6 =	smul.f32 s7, s7;
	(v2sf) =	vpush v2, $0x3  }
0x123: {  	s13 =	smul.f32 s31, s31;
	s1 =	sadd.f32 s1, s2;
	(v2sf) =	vpush v3, $0x3  }
0x124: {  	s5 =	smul.f32 s9, s9;
	s8 =	sadd.f32 s30, s6  }
0x125: {  	s0 =	smul.f32 s0, s0;
	s1 =	sadd.f32 s1, s13;
	(v2sf) =	vpush v2, $0x4  }
0x126: {  	s4 =	smul.f32 s11, s11;
	s10 =	sadd.f32 s8, s5;
	(v2sf) =	vpush v3, $0x4  }
0x127: {  	s19 =	smul.f32 s15, s15;
	s0 =	sadd.f32 s1, s0;
	(v2sf) =	vpush v2, $0x5  }
0x128: {  	s3 =	sadd.f32 s10, s4;
	s4 =	smul.f32 s16, s16;
	(v2sf) =	vpush v3, $0x5  }
0x129: {  	s21 =	smul.f32 s14, s14;
	s1 =	sadd.f32 s0, s19;
	(v2sf) =	vpush v2, $0x6  }
0x12a: {  	s17 =	sadd.f32 s3, s4;
	s3 =	smul.f32 s18, s18;
	(v2sf) =	vpush v3, $0x6  }
0x12b: {  	s0 =	smul.f32 s20, s20;
	(v2sf) =	vpush v2, $0x7;
	s22 =	spop (v2sf)  }
0x12c: {  	s2 =	sadd.f32 s17, s3;
	(v2sf) =	vpush v3, $0x7;
	s23 =	spop (v2sf)  }
0x12d: {  	s1 =	sadd.f32 s1, s21;
	(v2sf) =	vpush v2, $0x8;
	s24 =	spop (v2sf)  }
0x12e: {  	s0 =	sadd.f32 s2, s0;
	(v2sf) =	vpush v3, $0x8;
	s25 =	spop (v2sf)  }
0x12f: {  	s3 =	smin.f32 s22, s24;
	(v2sf) =	vpush v2, $0x9;
	s26 =	spop (v2sf)  }
0x130: {  	s2 =	smin.f32 s23, s25;
	(v2sf) =	vpush v3, $0x9;
	s28 =	spop (v2sf)  }
0x131: {  	s3 =	smin.f32 s3, s26;
	(v2sf) =	vpush v2, $0xA;
	s29 =	spop (v2sf)  }
0x132: {  	s2 =	smin.f32 s2, s28;
	(v2sf) =	vpush v3, $0xA;
	s30 =	spop (v2sf)  }
0x133: {  	s3 =	smin.f32 s3, s29;
	(v2sf) =	vpush v2, $0xB;
	s2 =	smin.f32 s2, s30  }
0x134: {  	s31 =	spop (v2sf);
	(v2sf) =	vpush v3, $0xB;
	s30 =	rddreg [dreg:$0x11]  }
0x135: {  	s3 =	smin.f32 s3, s31;
	s5 =	spop (v2sf);
	(v2sf) =	vpush v2, $0xC  }
0x136: {  	s31 =	rddreg [dreg:$0x7];
	s6 =	spop (v2sf);
	(v2sf) =	vpush v3, $0xC  }
0x137: {  	s2 =	smin.f32 s2, s5;
	s7 =	spop (v2sf);
	(v2sf) =	vpush v2, $0xD  }
0x138: {  	s3 =	smin.f32 s3, s6;
	s8 =	spop (v2sf);
	(v2sf) =	vpush v3, $0xD  }
0x139: {  	s2 =	smin.f32 s2, s7;
	s9 =	spop (v2sf);
	(v2sf) =	vpush v2, $0xE  }
0x13a: {  	s3 =	smin.f32 s3, s8;
	s10 =	spop (v2sf);
	(v2sf) =	vpush v3, $0xE  }
0x13b: {  	s2 =	smin.f32 s2, s9;
	s11 =	spop (v2sf);
	(v2sf) =	vpush v2, $0xF  }
0x13c: {  	s3 =	smin.f32 s3, s10;
	s13 =	spop (v2sf)  }
0x13d: {  	s2 =	smin.f32 s2, s11;
	(v2sf) =	vpush v3, $0xF;
	s14 =	spop (v2sf)  }
0x13e: {  	s3 =	smin.f32 s3, s13;
	s15 =	spop (v2sf)  }
0x13f: {  	s2 =	smin.f32 s2, s14;
	s16 =	spop (v2sf)  }
0x140: {  	s3 =	smin.f32 s3, s15;
	s17 =	spop (v2sf)  }
0x141: {  	s2 =	smin.f32 s2, s16;
	s18 =	spop (v2sf)  }
0x142: {  	s3 =	smin.f32 s3, s17;
	s19 =	spop (v2sf)  }
0x143: {  	s2 =	smin.f32 s2, s18;
	s20 =	spop (v2sf)  }
0x144: {  	s3 =	smin.f32 s3, s19;
	s21 =	spop (v2sf)  }
0x145: {  	s2 =	smin.f32 s2, s20;
	s22 =	spop (v2sf)  }
0x146: {  	s3 =	smin.f32 s3, s21;
	s23 =	spop (v2sf)  }
0x147: {  	s2 =	smin.f32 s2, s22;
	s24 =	spop (v2sf)  }
0x148: {  	s3 =	smin.f32 s3, s23;
	s25 =	spop (v2sf)  }
0x149: {  	s2 =	smin.f32 s2, s24;
	s26 =	spop (v2sf)  }
0x14a: {  	s12 =	sadd.s32 $0x1, s12;
	s3 =	smin.f32 s3, s25;
	s28 =	spop (v2sf)  }
0x14b: {  	p0 =	sne.s32 s12, $0x8;
	s2 =	smin.f32 s2, s26;
	s3 =	smin.f32 s3, s28  }
.Ltmp2:
0x14c: {  	s29 =	spop (v2sf);
	(pc) =	sbr.rel @p0 .LBB2_4-.Ltmp2, $4  }
0x14d: {  	v2 =	vmov s30;
	s2 =	smin.f32 s2, s29;
	s0 =	sadd.f32 s3, s0  }
0x14e: {  	v3 =	vmov s31;
	vm0 =	veq.s32 v2, v0;
	s1 =	sadd.f32 s2, s1  }
0x14f: {  	vm15 =	veq.s32 v3, v0;
	v1 =	vsel vm0, s0, v1  }
0x150: {  	v1 =	vsel vm15, s1, v1  }
0x151: {  	v1 =	vmax.f32 v1, $9.999999960e-13  }
0x152: {  	v2 =	vadd.f32 $1.000000000e+00, v1;
	_ =	sdelay $0x1  }
0x153: {  	v2 =	vmul.f32 $5.000000000e-01, v2;
	_ =	sdelay $0x1  }
0x154: {  	(erf) = vrcp.f32 v2;
	_ =	sdelay $0x8  }
0x155: {  	v3 =	vpop (erf)  }
0x156: {  	v3 =	vmul.f32 v3, v1;
	_ =	sdelay $0x1  }
0x157: {  	v2 =	vadd.f32 v3, v2;
	_ =	sdelay $0x1  }
0x158: {  	v2 =	vmul.f32 $5.000000000e-01, v2;
	_ =	sdelay $0x1  }
0x159: {  	(erf) = vrcp.f32 v2;
	_ =	sdelay $0x8  }
0x15a: {  	v3 =	vpop (erf)  }
0x15b: {  	v3 =	vmul.f32 v3, v1;
	_ =	sdelay $0x1  }
0x15c: {  	v2 =	vadd.f32 v3, v2;
	_ =	sdelay $0x1  }
0x15d: {  	v2 =	vmul.f32 $5.000000000e-01, v2;
	_ =	sdelay $0x1  }
0x15e: {  	(erf) = vrcp.f32 v2;
	_ =	sdelay $0x8  }
0x15f: {  	v3 =	vpop (erf)  }
0x160: {  	v3 =	vmul.f32 v3, v1;
	_ =	sdelay $0x1  }
0x161: {  	v2 =	vadd.f32 v3, v2;
	_ =	sdelay $0x1  }
0x162: {  	v2 =	vmul.f32 $5.000000000e-01, v2;
	_ =	sdelay $0x1  }
0x163: {  	(erf) = vrcp.f32 v2;
	_ =	sdelay $0x8  }
0x164: {  	v3 =	vpop (erf)  }
0x165: {  	v3 =	vmul.f32 v3, v1;
	_ =	sdelay $0x1  }
0x166: {  	v2 =	vadd.f32 v3, v2;
	_ =	sdelay $0x1  }
0x167: {  	v2 =	vmul.f32 $5.000000000e-01, v2;
	_ =	sdelay $0x1  }
0x168: {  	(erf) = vrcp.f32 v2;
	_ =	sdelay $0x8  }
0x169: {  	v3 =	vpop (erf)  }
0x16a: {  	v3 =	vmul.f32 v3, v1;
	_ =	sdelay $0x1  }
0x16b: {  	v2 =	vadd.f32 v3, v2;
	_ =	sdelay $0x1  }
0x16c: {  	v2 =	vmul.f32 $5.000000000e-01, v2;
	_ =	sdelay $0x1  }
0x16d: {  	(erf) = vrcp.f32 v2;
	_ =	sdelay $0x8  }
0x16e: {  	v3 =	vpop (erf)  }
0x16f: {  	v3 =	vmul.f32 v3, v1;
	_ =	sdelay $0x1  }
0x170: {  	v2 =	vadd.f32 v3, v2;
	_ =	sdelay $0x1  }
0x171: {  	v2 =	vmul.f32 $5.000000000e-01, v2;
	_ =	sdelay $0x1  }
0x172: {  	(erf) = vrcp.f32 v2;
	_ =	sdelay $0x8  }
0x173: {  	v3 =	vpop (erf)  }
0x174: {  	v3 =	vmul.f32 v3, v1;
	_ =	sdelay $0x1  }
0x175: {  	v2 =	vadd.f32 v3, v2;
	_ =	sdelay $0x1  }
0x176: {  	v2 =	vmul.f32 $5.000000000e-01, v2;
	_ =	sdelay $0x1  }
0x177: {  	(erf) = vrcp.f32 v2;
	_ =	sdelay $0x8  }
0x178: {  	v3 =	vpop (erf)  }
0x179: {  	v1 =	vmul.f32 v3, v1;
	_ =	sdelay $0x1  }
0x17a: {  	v1 =	vadd.f32 v1, v2;
	_ =	sdelay $0x1  }
0x17b: {  	v1 =	vmul.f32 $5.000000000e-01, v1;
	_ =	sdelay $0x1  }
0x17c: {  	v1 =	vmin.f32 v1, $1.000000000e+06  }
0x17d: {  	v1 =	vadd.f32 $0.0e+00, v1  }
0x17e: {  	s5 =	simm.s32 $0x0  }
0x17f: {  	s0 =	rddreg [dreg:$0x4];
	s1 =	simm.s32 $0x4C00;
	s2 =	simm.s32 $0x1;
	[tilespmem:$0x4C00] =	vst v1  }
0x180: {  	[hbm4b:s0+s5] =	stream.linear.scatter [tilespmem:s1], [sflag:$0x1], $0x80, $0x38;
	[tilespmem:$0x4C80] =	vst v63  }
0x181: {  	_ =	swait.ge [sflag:s2], $0x80  }
0x182: {  	s30 =	rddreg [dreg:$0x6]  }
0x183: {  	s31 =	rddreg [dreg:$0x5];
	s1 =	sadd.s32 $0x1, s30  }
0x184: {  	p0 =	sne.s32 s1, s31  }
.Ltmp3:
0x185: {  	_ = 	snop;
	(pc) =	sbr.rel @p0 .LBB2_1-.Ltmp3, $3  }
0x186: {  	_ =	sdelay $0x1  }
0x187: {  	[sflag:s2] =	ssyncset.done $0x0  }
0x188: {  	[sflag:s2] =	ssyncadd.s32 $0xFFFFFF80  }
0x189: {  	_ =	sfence.sel $0x180000  }
0x18a: {  	[bflag:$0x0] =	sbarrier.arrive $0xFFFF  }
0x18b: {  	_ =	strace $0x90000047  }
0x18c: {  	s0 =	stileid.u32;
	[bflag:$0x2] =	sbarrier.arrive $0xFFFF  }
0x18d: {  	p0 =	sne.s32 s0, $0x0;
	s0 =	rddreg [dreg:$0x2]  }
0x18e: {  	s0 =	sadd.s32 @!p0 $0x100000, s0  }
0x18f: {  	[sflag:s0] =	ssyncadd.tile.s32 @!p0 $0x1;
	_ =	shalt  }
.Lfunc_end2:
_tile_overlayer_lowered:
.L_overlay_start_2:
0x190: {  	(tag) =	ssettag $0x2  }
0x191: {  	s0 =	rddreg [dreg:$0x0];
	s2 =	stileid.u32  }
0x192: {  	s1 =	rddreg [dreg:$0x1];
	p0 =	sne.s32 s2, $0x0  }
0x193: {  	s3 =	rddreg [dreg:$0x2];
	[bflag:$0x3] =	sbarrier.arrive $0xFFFF;
	s2 =	simm.s32 @!p0 $0x1C01  }
0x194: {  	[timem:s3], [sflag:s2] =	dma.local @!p0 [hbm:s0], s1  }
0x195: {  	s0 =	simm.s32 @!p0 $0x1  }
0x196: {  	_ =	swait.ge @!p0 [sflag:s0], s1  }
0x197: {  	s1 =	ssub.s32 @!p0 $0x0, s1;
	[sflag:s0] =	ssyncset.done @!p0 $0x0  }
0x198: {  	[sflag:s0] =	ssyncadd.s32 @!p0 s1  }
0x199: {  	[bflag:$0x3] =	sbarrier.arrive $0xFFFF  }
0x19a: {  	_ =	shalt  }

</sc_bundles>
